<compile_context>
chip_gen: v7x
topology: tpu7x:2x2x1
jax: 0.10.2.dev20260603
libtpu: 0.0.44.dev20260713+nightly
codegen_flags: <defaults>
</compile_context>

<pallas_src>
import functools
import math

import jax
import jax.numpy as jnp
from jax import lax
from jax.experimental import pallas as pl
from jax.experimental.pallas import tpu as pltpu
from jax.experimental.pallas import tpu_sc as plsc

_TOKEN_BLOCK = 1024
_GATE_W = 128
_SC_WORKERS = 32
_SC_CHUNK = 64


def _router_body(n_tok, n_exp, cap, aux_coef,
                 x_ref, wr_ref, g_ref, scat_ref, aux_ref,
                 counts_ref, imp_ref):
    i = pl.program_id(0)
    tb = x_ref.shape[0]

    @pl.when(i == 0)
    def _():
        counts_ref[...] = jnp.zeros_like(counts_ref)
        imp_ref[...] = jnp.zeros_like(imp_ref)
        aux_ref[...] = jnp.zeros_like(aux_ref)

    x = x_ref[...]
    logits = jnp.dot(x, wr_ref[...], preferred_element_type=jnp.float32)
    m = jnp.max(logits, axis=-1, keepdims=True)
    e = jnp.exp(logits - m)
    probs = e / jnp.sum(e, axis=-1, keepdims=True)
    gate = jnp.max(probs, axis=-1, keepdims=True)
    lane = lax.broadcasted_iota(jnp.int32, (tb, n_exp), 1)
    eidx = jnp.min(jnp.where(logits == m, lane, n_exp), axis=-1,
                   keepdims=True)
    onehot = (lane == eidx).astype(jnp.float32)

    row = lax.broadcasted_iota(jnp.int32, (tb, tb), 0)
    col = lax.broadcasted_iota(jnp.int32, (tb, tb), 1)
    tril = (col < row).astype(jnp.float32)
    prefix = jnp.dot(tril, onehot, preferred_element_type=jnp.float32)
    counts_prev = counts_ref[...]
    rank = jnp.sum(onehot * (prefix + counts_prev), axis=-1,
                   keepdims=True).astype(jnp.int32)
    counts_ref[...] = counts_prev + jnp.sum(onehot, axis=0, keepdims=True)
    imp_ref[...] = imp_ref[...] + jnp.sum(probs, axis=0, keepdims=True)

    slot = eidx * cap + rank
    valid = rank < cap
    trash = n_exp * cap
    scat_ref[...] = jnp.where(valid, slot, trash)

    pad = jnp.zeros((tb, _GATE_W - 1), jnp.float32)
    g_ref[...] = jnp.concatenate([gate, pad], axis=1)

    @pl.when(i == pl.num_programs(0) - 1)
    def _():
        lbl = jnp.sum(imp_ref[...] * counts_ref[...], axis=(0, 1),
                      keepdims=True)
        aux_ref[...] = aux_coef * lbl * (n_exp / (float(n_tok) * n_tok))


def _router(x_flat, wr, cap, aux_coef, interpret=False):
    n_tok, d = x_flat.shape
    n_exp = wr.shape[1]
    tb = _TOKEN_BLOCK
    grid = n_tok // tb
    body = functools.partial(_router_body, n_tok, n_exp, cap, aux_coef)
    return pl.pallas_call(
        body,
        grid=(grid,),
        in_specs=[
            pl.BlockSpec((tb, d), lambda i: (i, 0)),
            pl.BlockSpec((d, n_exp), lambda i: (0, 0)),
        ],
        out_specs=[
            pl.BlockSpec((tb, _GATE_W), lambda i: (i, 0)),
            pl.BlockSpec((tb, 1), lambda i: (i, 0)),
            pl.BlockSpec((1, 1), lambda i: (0, 0)),
        ],
        out_shape=[
            jax.ShapeDtypeStruct((n_tok, _GATE_W), jnp.float32),
            jax.ShapeDtypeStruct((n_tok, 1), jnp.int32),
            jax.ShapeDtypeStruct((1, 1), jnp.float32),
        ],
        scratch_shapes=[
            pltpu.VMEM((1, n_exp), jnp.float32),
            pltpu.VMEM((1, n_exp), jnp.float32),
        ],
        interpret=interpret,
    )(x_flat, wr)


def _dispatch(x_flat, gates, scat_idx3, n_slot):
    n_tok, d = x_flat.shape
    per_w = n_tok // _SC_WORKERS
    chunk = min(_SC_CHUNK, per_w)
    n_chunk = per_w // chunk
    mesh = plsc.VectorSubcoreMesh(core_axis_name="c", subcore_axis_name="s")

    @functools.partial(
        pl.kernel,
        out_type=[
            jax.ShapeDtypeStruct((n_slot, d), jnp.float32),
            jax.ShapeDtypeStruct((n_slot, _GATE_W), jnp.float32),
        ],
        mesh=mesh,
        scratch_types=[
            pltpu.VMEM((n_chunk, chunk), jnp.int32),
            pltpu.VMEM((chunk, d), jnp.float32),
            pltpu.VMEM((chunk, d), jnp.float32),
            pltpu.VMEM((chunk, _GATE_W), jnp.float32),
            pltpu.VMEM((chunk, _GATE_W), jnp.float32),
            pltpu.SemaphoreType.DMA,
            pltpu.SemaphoreType.DMA,
            pltpu.SemaphoreType.DMA,
            pltpu.SemaphoreType.DMA,
        ],
    )
    def k(x_hbm, g_hbm, idx_hbm, xg_hbm, gs_hbm, idx_v,
          buf_a, buf_b, gbuf_a, gbuf_b, sia, sib, soa, sob):
        wid = lax.axis_index("s") * 2 + lax.axis_index("c")
        base = wid * per_w
        pltpu.sync_copy(idx_hbm.at[wid], idx_v)

        bufs = (buf_a, buf_b)
        gbufs = (gbuf_a, gbuf_b)
        sin = (sia, sib)
        sout = (soa, sob)

        def cp_in(c):
            sl = pl.ds(base + c * chunk, chunk)
            h1 = pltpu.async_copy(x_hbm.at[sl], bufs[c % 2], sin[c % 2])
            h2 = pltpu.async_copy(g_hbm.at[sl], gbufs[c % 2], sin[c % 2])
            return (h1, h2)

        def cp_out(c):
            h1 = pltpu.async_copy(bufs[c % 2], xg_hbm.at[idx_v.at[c]],
                                  sout[c % 2])
            h2 = pltpu.async_copy(gbufs[c % 2], gs_hbm.at[idx_v.at[c]],
                                  sout[c % 2])
            return (h1, h2)

        def wait(hs):
            for h in hs:
                h.wait()

        pend_in = {0: cp_in(0)}
        pend_out = {}
        for c in range(n_chunk):
            wait(pend_in.pop(c))
            if c + 1 < n_chunk:
                if c >= 1:
                    wait(pend_out.pop(c - 1))
                pend_in[c + 1] = cp_in(c + 1)
            pend_out[c] = cp_out(c)
        for c in sorted(pend_out):
            wait(pend_out.pop(c))

    return k(x_flat, gates, scat_idx3)


def _collect(yg, gath_idx3, n_tok):
    d = yg.shape[1]
    per_w = n_tok // _SC_WORKERS
    chunk = min(_SC_CHUNK, per_w)
    n_chunk = per_w // chunk
    mesh = plsc.VectorSubcoreMesh(core_axis_name="c", subcore_axis_name="s")

    @functools.partial(
        pl.kernel,
        out_type=jax.ShapeDtypeStruct((n_tok, d), jnp.float32),
        mesh=mesh,
        scratch_types=[
            pltpu.VMEM((n_chunk, chunk), jnp.int32),
            pltpu.VMEM((chunk, d), jnp.float32),
            pltpu.VMEM((chunk, d), jnp.float32),
            pltpu.SemaphoreType.DMA,
            pltpu.SemaphoreType.DMA,
            pltpu.SemaphoreType.DMA,
            pltpu.SemaphoreType.DMA,
        ],
    )
    def k(yg_hbm, idx_hbm, ys_hbm, idx_v, buf_a, buf_b, sia, sib, soa, sob):
        wid = lax.axis_index("s") * 2 + lax.axis_index("c")
        base = wid * per_w
        pltpu.sync_copy(idx_hbm.at[wid], idx_v)

        bufs = (buf_a, buf_b)
        sin = (sia, sib)
        sout = (soa, sob)

        def cp_in(c):
            return pltpu.async_copy(
                yg_hbm.at[idx_v.at[c]], bufs[c % 2], sin[c % 2])

        def cp_out(c):
            return pltpu.async_copy(
                bufs[c % 2], ys_hbm.at[pl.ds(base + c * chunk, chunk)],
                sout[c % 2])

        pend_in = {0: cp_in(0)}
        pend_out = {}
        for c in range(n_chunk):
            pend_in.pop(c).wait()
            if c + 1 < n_chunk:
                if c >= 1:
                    pend_out.pop(c - 1).wait()
                pend_in[c + 1] = cp_in(c + 1)
            pend_out[c] = cp_out(c)
        for c in sorted(pend_out):
            pend_out.pop(c).wait()

    return k(yg, gath_idx3)


def _ffn_body(n_exp, d, cap, epb, xg_ref, gs_ref, wg_ref, wu_ref, wd_ref,
              yg_ref):
    e = pl.program_id(0)

    @pl.when(e < n_exp // epb)
    def _():
        for k in range(epb):
            rows = pl.ds(k * cap, cap)
            xe = xg_ref[rows, :].astype(jnp.bfloat16)
            gate = gs_ref[rows, 0:1]
            a = jnp.dot(xe, wg_ref[k].astype(jnp.bfloat16),
                        preferred_element_type=jnp.float32)
            b = jnp.dot(xe, wu_ref[k].astype(jnp.bfloat16),
                        preferred_element_type=jnp.float32)
            h = (a * jax.nn.sigmoid(a)) * b
            y = jnp.dot(h.astype(jnp.bfloat16),
                        wd_ref[k].astype(jnp.bfloat16),
                        preferred_element_type=jnp.float32)
            yg_ref[rows, :] = y * gate

    @pl.when(e == n_exp // epb)
    def _():
        yg_ref[...] = jnp.zeros_like(yg_ref)


def _ffn(xg, gs, wg, wu, wd, cap, interpret=False):
    n_exp, d, dff = wg.shape
    epb = 2
    body = functools.partial(_ffn_body, n_exp, d, cap, epb)
    last = n_exp // epb - 1
    return pl.pallas_call(
        body,
        grid=(n_exp // epb + 1,),
        in_specs=[
            pl.BlockSpec((epb * cap, d), lambda e: (e, 0)),
            pl.BlockSpec((epb * cap, _GATE_W), lambda e: (e, 0)),
            pl.BlockSpec((epb, d, dff), lambda e: (jnp.minimum(e, last), 0, 0)),
            pl.BlockSpec((epb, d, dff), lambda e: (jnp.minimum(e, last), 0, 0)),
            pl.BlockSpec((epb, dff, d), lambda e: (jnp.minimum(e, last), 0, 0)),
        ],
        out_specs=pl.BlockSpec((epb * cap, d), lambda e: (e, 0)),
        out_shape=jax.ShapeDtypeStruct(((n_exp + epb) * cap, d), jnp.float32),
        interpret=interpret,
    )(xg, gs, wg, wu, wd)


def kernel(x, Wr, Wg, Wu, Wd):
    b, s, d = x.shape
    n_tok = b * s
    n_exp = Wr.shape[1]
    cap = max(1, int(math.ceil(1.25 * (n_tok / n_exp))))
    x_flat = x.reshape(n_tok, d)

    gates, scat2, aux = _router(x_flat, Wr, cap, 0.01)
    per_w = n_tok // _SC_WORKERS
    chunk = min(_SC_CHUNK, per_w)
    scat3 = scat2.reshape(_SC_WORKERS, per_w // chunk, chunk)
    gath3 = scat3

    n_slot = (n_exp + 2) * cap
    xg, gs = _dispatch(x_flat, gates, scat3, n_slot)
    yg = _ffn(xg, gs, Wg, Wu, Wd, cap)
    out = _collect(yg, gath3, n_tok)
    return out.reshape(b, s, d), aux.reshape(())

# --- scband reference (transcript-rebuilt; emitter-appended) ---
"""Pipeline reference for scband-top-kmo-e-46737834115362 (READ-ONLY COPY).

The authoritative reference and input builder live on the scoring server;
editing this copy changes nothing except your own understanding.
"""

import math
import jax, jax.numpy as jnp
import numpy as np

B, S, D_MODEL = 4, 2048, 768
D_FF = 512
E = 64
TOP_K = 1
CAP_FACTOR = 1.25
AUX_COEF = 0.01
Z_COEF = 0.0
NORMALIZE = True


def setup_inputs(seed: int = 0) -> dict:
    key = jax.random.key(seed)
    ks = jax.random.split(key, 5)
    x = jax.random.normal(ks[0], (B, S, D_MODEL), dtype=jnp.float32)
    Wr = jax.random.normal(ks[1], (D_MODEL, E), dtype=jnp.float32) * (1.0 / math.sqrt(D_MODEL))
    Wg = jax.random.normal(ks[2], (E, D_MODEL, D_FF), dtype=jnp.float32) * (1.0 / math.sqrt(D_MODEL))
    Wu = jax.random.normal(ks[3], (E, D_MODEL, D_FF), dtype=jnp.float32) * (1.0 / math.sqrt(D_MODEL))
    Wd = jax.random.normal(ks[4], (E, D_FF, D_MODEL), dtype=jnp.float32) * (1.0 / math.sqrt(D_FF))
    return {"x": x, "Wr": Wr, "Wg": Wg, "Wu": Wu, "Wd": Wd}


def reference(x, Wr, Wg, Wu, Wd):
    b, s, d = x.shape
    tokens = b * s
    x_flat = x.reshape(tokens, d)
    router_logits = x_flat @ Wr
    router_probs = jax.nn.softmax(router_logits.astype(jnp.float32), axis=-1)
    topk_probs, topk_idx = jax.lax.top_k(router_probs, TOP_K)
    if NORMALIZE and TOP_K > 1:
        topk_probs = topk_probs / jnp.clip(topk_probs.sum(axis=-1, keepdims=True), 1e-9, None)
    primary_idx = topk_idx[:, 0]
    load = jnp.bincount(primary_idx, length=E).astype(jnp.float32) / float(tokens)
    importance = router_probs.sum(axis=0) / float(tokens)
    load_balance_loss = (importance * load).sum() * float(E)
    z_loss = jnp.mean(jax.nn.logsumexp(router_logits.astype(jnp.float32), axis=-1) ** 2)
    aux_loss = AUX_COEF * load_balance_loss + Z_COEF * z_loss

    if TOP_K == 1:
        x_rep = x_flat
        expert_idx = topk_idx[:, 0]
        gate = topk_probs[:, 0]
        tokens_per_expert = tokens
    else:
        x_rep = jnp.repeat(x_flat, TOP_K, axis=0)
        expert_idx = topk_idx.reshape(-1)
        gate = topk_probs.reshape(-1)
        tokens_per_expert = tokens * TOP_K

    capacity = max(1, int(math.ceil(CAP_FACTOR * (tokens_per_expert / E))))
    order = jnp.argsort(expert_idx)
    x_sorted = x_rep[order]
    gate_sorted = gate[order].astype(x.dtype)
    expert_sorted = expert_idx[order]
    counts = jnp.bincount(expert_sorted, length=E)
    starts = jnp.cumsum(counts) - counts

    n_tokens = x_sorted.shape[0]
    x_pad = jnp.concatenate([x_sorted, jnp.zeros((capacity, d), dtype=x_sorted.dtype)], axis=0)
    gate_pad = jnp.concatenate([gate_sorted, jnp.zeros((capacity,), dtype=gate_sorted.dtype)], axis=0)
    out_sorted = jnp.zeros_like(x_sorted)
    pos = jnp.arange(capacity)
    for expert_id in range(E):
        start = starts[expert_id]
        take = jnp.minimum(counts[expert_id], capacity)
        x_e = jax.lax.dynamic_slice(x_pad, (start, 0), (capacity, d))
        h = jax.nn.silu(x_e @ Wg[expert_id]) * (x_e @ Wu[expert_id])
        y_e = h @ Wd[expert_id]
        g_e = jax.lax.dynamic_slice(gate_pad, (start,), (capacity,))
        y_e = y_e * g_e[:, None]
        valid = pos < take
        idx = jnp.where(valid, start + pos, n_tokens)
        out_sorted = out_sorted.at[idx].set(y_e, mode='drop')

    inv = jnp.zeros_like(order).at[order].set(jnp.arange(order.shape[0]))
    out_rep = out_sorted[inv]
    if TOP_K == 1:
        out = out_rep
    else:
        out = out_rep.reshape(tokens, TOP_K, d).sum(axis=1)
    return out.reshape(b, s, d), aux_loss.astype(x.dtype)

if __name__ == "__main__":
    import jax
    _d = setup_inputs()
    print(jax.jit(kernel)(*tuple(_d.values())))

</pallas_src>

<mosaic_0001>
#map = affine_map<(d0, d1) -> (0, 0)>
#map1 = affine_map<(d0, d1) -> (0, 0, 0)>
module attributes {stable_mosaic.version = 14 : i64} {
  func.func @k(%arg0: i32, %arg1: i32, %arg2: memref<8192x768xf32, #tpu.memory_space<hbm>>, %arg3: memref<8192x128xf32, #tpu.memory_space<hbm>>, %arg4: memref<32x4x64xi32, #tpu.memory_space<hbm>>, %arg5: memref<10560x768xf32, #tpu.memory_space<hbm>>, %arg6: memref<10560x128xf32, #tpu.memory_space<hbm>>, %arg7: memref<4x64xi32, #tpu.memory_space<vmem>>, %arg8: memref<64x768xf32, #tpu.memory_space<vmem>>, %arg9: memref<64x768xf32, #tpu.memory_space<vmem>>, %arg10: memref<64x128xf32, #tpu.memory_space<vmem>>, %arg11: memref<64x128xf32, #tpu.memory_space<vmem>>, %arg12: memref<!tpu.dma_semaphore, #tpu.memory_space<semaphore_mem>>, %arg13: memref<!tpu.dma_semaphore, #tpu.memory_space<semaphore_mem>>, %arg14: memref<!tpu.dma_semaphore, #tpu.memory_space<semaphore_mem>>, %arg15: memref<!tpu.dma_semaphore, #tpu.memory_space<semaphore_mem>>) attributes {dimension_semantics = [#tpu.dimension_semantics<core_parallel>, #tpu.dimension_semantics<subcore_parallel>], iteration_bounds = array<i64: 2, 16>, scalar_prefetch = 0 : i64, scratch_operands = 9 : i64, tpu.core_type = #tpu.core_type<sc_vector_subcore>, window_params = [{transform_indices = #map}, {transform_indices = #map}, {transform_indices = #map1}, {transform_indices = #map}, {transform_indices = #map}]} {
    %mul3A = arith.constant 2 : i32
    %mul3A_0 = arith.muli %arg1, %mul3A : i32
    %add3A = arith.addi %mul3A_0, %arg0 : i32
    %mul3A_1 = arith.constant 256 : i32
    %mul3A_2 = arith.muli %add3A, %mul3A_1 : i32
    "tpu.region"() ({
      %run_scoped3A = tpu.sem_alloc : memref<!tpu.dma_semaphore, #tpu.memory_space<semaphore_mem>>
      %dma_start3A_185 = arith.constant 0 : i32
      %dma_start3A_186 = arith.constant 0 : i32
      %dma_start3A_187 = tpu.memref_slice %arg4[%add3A, %dma_start3A_185, %dma_start3A_186] : memref<32x4x64xi32, #tpu.memory_space<hbm>> -> memref<1x4x64xi32, #tpu.memory_space<hbm>>
      %dma_start3A_188 = tpu.memref_squeeze %dma_start3A_187 : memref<1x4x64xi32, #tpu.memory_space<hbm>> -> memref<4x64xi32, #tpu.memory_space<hbm>>
      %dma_start3A_189 = arith.constant 0 : i32
      %dma_start3A_190 = arith.constant 0 : i32
      %dma_start3A_191 = tpu.memref_slice %arg4[%add3A, %dma_start3A_189, %dma_start3A_190] : memref<32x4x64xi32, #tpu.memory_space<hbm>> -> memref<1x4x64xi32, #tpu.memory_space<hbm>>
      %dma_start3A_192 = tpu.memref_squeeze %dma_start3A_191 : memref<1x4x64xi32, #tpu.memory_space<hbm>> -> memref<4x64xi32, #tpu.memory_space<hbm>>
      tpu.enqueue_dma source(%dma_start3A_192 : memref<4x64xi32, #tpu.memory_space<hbm>>) target(%arg7 : memref<4x64xi32, #tpu.memory_space<vmem>>) target_semaphore(%run_scoped3A : memref<!tpu.dma_semaphore, #tpu.memory_space<semaphore_mem>>)
      %dma_wait3A_193 = arith.constant 0 : i32
      %dma_wait3A_194 = arith.constant 0 : i32
      %dma_wait3A_195 = tpu.memref_slice %arg4[%add3A, %dma_wait3A_193, %dma_wait3A_194] : memref<32x4x64xi32, #tpu.memory_space<hbm>> -> memref<1x4x64xi32, #tpu.memory_space<hbm>>
      %dma_wait3A_196 = tpu.memref_squeeze %dma_wait3A_195 : memref<1x4x64xi32, #tpu.memory_space<hbm>> -> memref<4x64xi32, #tpu.memory_space<hbm>>
      %dma_wait3A_197 = arith.constant 0 : i32
      %dma_wait3A_198 = arith.constant 0 : i32
      %dma_wait3A_199 = tpu.memref_slice %arg4[%add3A, %dma_wait3A_197, %dma_wait3A_198] : memref<32x4x64xi32, #tpu.memory_space<hbm>> -> memref<1x4x64xi32, #tpu.memory_space<hbm>>
      %dma_wait3A_200 = tpu.memref_squeeze %dma_wait3A_199 : memref<1x4x64xi32, #tpu.memory_space<hbm>> -> memref<4x64xi32, #tpu.memory_space<hbm>>
      tpu.wait_dma2 semaphore(%run_scoped3A : memref<!tpu.dma_semaphore, #tpu.memory_space<semaphore_mem>>) src(%dma_wait3A_200 : memref<4x64xi32, #tpu.memory_space<hbm>>) dst(%arg7 : memref<4x64xi32, #tpu.memory_space<vmem>>)
      tpu.yield
    }) : () -> ()
    %add3A_3 = arith.constant 0 : i32
    %add3A_4 = arith.addi %mul3A_2, %add3A_3 : i32
    %dma_start3A = arith.constant 0 : i32
    %dma_start3A_5 = tpu.memref_slice %arg2[%add3A_4, %dma_start3A] : memref<8192x768xf32, #tpu.memory_space<hbm>> -> memref<64x768xf32, #tpu.memory_space<hbm>>
    %dma_start3A_6 = arith.constant 0 : i32
    %dma_start3A_7 = tpu.memref_slice %arg2[%add3A_4, %dma_start3A_6] : memref<8192x768xf32, #tpu.memory_space<hbm>> -> memref<64x768xf32, #tpu.memory_space<hbm>>
    tpu.enqueue_dma source(%dma_start3A_7 : memref<64x768xf32, #tpu.memory_space<hbm>>) target(%arg8 : memref<64x768xf32, #tpu.memory_space<vmem>>) target_semaphore(%arg12 : memref<!tpu.dma_semaphore, #tpu.memory_space<semaphore_mem>>)
    %dma_start3A_8 = arith.constant 0 : i32
    %dma_start3A_9 = tpu.memref_slice %arg3[%add3A_4, %dma_start3A_8] : memref<8192x128xf32, #tpu.memory_space<hbm>> -> memref<64x128xf32, #tpu.memory_space<hbm>>
    %dma_start3A_10 = arith.constant 0 : i32
    %dma_start3A_11 = tpu.memref_slice %arg3[%add3A_4, %dma_start3A_10] : memref<8192x128xf32, #tpu.memory_space<hbm>> -> memref<64x128xf32, #tpu.memory_space<hbm>>
    tpu.enqueue_dma source(%dma_start3A_11 : memref<64x128xf32, #tpu.memory_space<hbm>>) target(%arg10 : memref<64x128xf32, #tpu.memory_space<vmem>>) target_semaphore(%arg12 : memref<!tpu.dma_semaphore, #tpu.memory_space<semaphore_mem>>)
    %dma_wait3A = arith.constant 0 : i32
    %dma_wait3A_12 = tpu.memref_slice %arg2[%add3A_4, %dma_wait3A] : memref<8192x768xf32, #tpu.memory_space<hbm>> -> memref<64x768xf32, #tpu.memory_space<hbm>>
    %dma_wait3A_13 = arith.constant 0 : i32
    %dma_wait3A_14 = tpu.memref_slice %arg2[%add3A_4, %dma_wait3A_13] : memref<8192x768xf32, #tpu.memory_space<hbm>> -> memref<64x768xf32, #tpu.memory_space<hbm>>
    tpu.wait_dma2 semaphore(%arg12 : memref<!tpu.dma_semaphore, #tpu.memory_space<semaphore_mem>>) src(%dma_wait3A_14 : memref<64x768xf32, #tpu.memory_space<hbm>>) dst(%arg8 : memref<64x768xf32, #tpu.memory_space<vmem>>)
    %dma_wait3A_15 = arith.constant 0 : i32
    %dma_wait3A_16 = tpu.memref_slice %arg3[%add3A_4, %dma_wait3A_15] : memref<8192x128xf32, #tpu.memory_space<hbm>> -> memref<64x128xf32, #tpu.memory_space<hbm>>
    %dma_wait3A_17 = arith.constant 0 : i32
    %dma_wait3A_18 = tpu.memref_slice %arg3[%add3A_4, %dma_wait3A_17] : memref<8192x128xf32, #tpu.memory_space<hbm>> -> memref<64x128xf32, #tpu.memory_space<hbm>>
    tpu.wait_dma2 semaphore(%arg12 : memref<!tpu.dma_semaphore, #tpu.memory_space<semaphore_mem>>) src(%dma_wait3A_18 : memref<64x128xf32, #tpu.memory_space<hbm>>) dst(%arg10 : memref<64x128xf32, #tpu.memory_space<vmem>>)
    %add3A_19 = arith.constant 64 : i32
    %add3A_20 = arith.addi %mul3A_2, %add3A_19 : i32
    %dma_start3A_21 = arith.constant 0 : i32
    %dma_start3A_22 = tpu.memref_slice %arg2[%add3A_20, %dma_start3A_21] : memref<8192x768xf32, #tpu.memory_space<hbm>> -> memref<64x768xf32, #tpu.memory_space<hbm>>
    %dma_start3A_23 = arith.constant 0 : i32
    %dma_start3A_24 = tpu.memref_slice %arg2[%add3A_20, %dma_start3A_23] : memref<8192x768xf32, #tpu.memory_space<hbm>> -> memref<64x768xf32, #tpu.memory_space<hbm>>
    tpu.enqueue_dma source(%dma_start3A_24 : memref<64x768xf32, #tpu.memory_space<hbm>>) target(%arg9 : memref<64x768xf32, #tpu.memory_space<vmem>>) target_semaphore(%arg13 : memref<!tpu.dma_semaphore, #tpu.memory_space<semaphore_mem>>)
    %dma_start3A_25 = arith.constant 0 : i32
    %dma_start3A_26 = tpu.memref_slice %arg3[%add3A_20, %dma_start3A_25] : memref<8192x128xf32, #tpu.memory_space<hbm>> -> memref<64x128xf32, #tpu.memory_space<hbm>>
    %dma_start3A_27 = arith.constant 0 : i32
    %dma_start3A_28 = tpu.memref_slice %arg3[%add3A_20, %dma_start3A_27] : memref<8192x128xf32, #tpu.memory_space<hbm>> -> memref<64x128xf32, #tpu.memory_space<hbm>>
    tpu.enqueue_dma source(%dma_start3A_28 : memref<64x128xf32, #tpu.memory_space<hbm>>) target(%arg11 : memref<64x128xf32, #tpu.memory_space<vmem>>) target_semaphore(%arg13 : memref<!tpu.dma_semaphore, #tpu.memory_space<semaphore_mem>>)
    %dma_start3A_29 = arith.constant 0 : i32
    %dma_start3A_30 = arith.constant 0 : i32
    %dma_start3A_31 = tpu.memref_slice %arg7[%dma_start3A_29, %dma_start3A_30] : memref<4x64xi32, #tpu.memory_space<vmem>> -> memref<1x64xi32, #tpu.memory_space<vmem>>
    %dma_start3A_32 = tpu.memref_squeeze %dma_start3A_31 : memref<1x64xi32, #tpu.memory_space<vmem>> -> memref<64xi32, #tpu.memory_space<vmem>>
    %dma_start3A_33 = arith.constant 0 : i32
    %dma_start3A_34 = arith.constant 0 : i32
    %dma_start3A_35 = tpu.memref_slice %arg5[%dma_start3A_33, %dma_start3A_34] : memref<10560x768xf32, #tpu.memory_space<hbm>> -> memref<10560x768xf32, #tpu.memory_space<hbm>>
    tpu.enqueue_indirect_dma source(%arg8 : memref<64x768xf32, #tpu.memory_space<vmem>>) target(%dma_start3A_35 : memref<10560x768xf32, #tpu.memory_space<hbm>>) offsets(%dma_start3A_32 : memref<64xi32, #tpu.memory_space<vmem>>) semaphore(%arg14 : memref<!tpu.dma_semaphore, #tpu.memory_space<semaphore_mem>>)
    %dma_start3A_36 = arith.constant 0 : i32
    %dma_start3A_37 = arith.constant 0 : i32
    %dma_start3A_38 = tpu.memref_slice %arg7[%dma_start3A_36, %dma_start3A_37] : memref<4x64xi32, #tpu.memory_space<vmem>> -> memref<1x64xi32, #tpu.memory_space<vmem>>
    %dma_start3A_39 = tpu.memref_squeeze %dma_start3A_38 : memref<1x64xi32, #tpu.memory_space<vmem>> -> memref<64xi32, #tpu.memory_space<vmem>>
    %dma_start3A_40 = arith.constant 0 : i32
    %dma_start3A_41 = arith.constant 0 : i32
    %dma_start3A_42 = tpu.memref_slice %arg6[%dma_start3A_40, %dma_start3A_41] : memref<10560x128xf32, #tpu.memory_space<hbm>> -> memref<10560x128xf32, #tpu.memory_space<hbm>>
    tpu.enqueue_indirect_dma source(%arg10 : memref<64x128xf32, #tpu.memory_space<vmem>>) target(%dma_start3A_42 : memref<10560x128xf32, #tpu.memory_space<hbm>>) offsets(%dma_start3A_39 : memref<64xi32, #tpu.memory_space<vmem>>) semaphore(%arg14 : memref<!tpu.dma_semaphore, #tpu.memory_space<semaphore_mem>>)
    %dma_wait3A_43 = arith.constant 0 : i32
    %dma_wait3A_44 = tpu.memref_slice %arg2[%add3A_20, %dma_wait3A_43] : memref<8192x768xf32, #tpu.memory_space<hbm>> -> memref<64x768xf32, #tpu.memory_space<hbm>>
    %dma_wait3A_45 = arith.constant 0 : i32
    %dma_wait3A_46 = tpu.memref_slice %arg2[%add3A_20, %dma_wait3A_45] : memref<8192x768xf32, #tpu.memory_space<hbm>> -> memref<64x768xf32, #tpu.memory_space<hbm>>
    tpu.wait_dma2 semaphore(%arg13 : memref<!tpu.dma_semaphore, #tpu.memory_space<semaphore_mem>>) src(%dma_wait3A_46 : memref<64x768xf32, #tpu.memory_space<hbm>>) dst(%arg9 : memref<64x768xf32, #tpu.memory_space<vmem>>)
    %dma_wait3A_47 = arith.constant 0 : i32
    %dma_wait3A_48 = tpu.memref_slice %arg3[%add3A_20, %dma_wait3A_47] : memref<8192x128xf32, #tpu.memory_space<hbm>> -> memref<64x128xf32, #tpu.memory_space<hbm>>
    %dma_wait3A_49 = arith.constant 0 : i32
    %dma_wait3A_50 = tpu.memref_slice %arg3[%add3A_20, %dma_wait3A_49] : memref<8192x128xf32, #tpu.memory_space<hbm>> -> memref<64x128xf32, #tpu.memory_space<hbm>>
    tpu.wait_dma2 semaphore(%arg13 : memref<!tpu.dma_semaphore, #tpu.memory_space<semaphore_mem>>) src(%dma_wait3A_50 : memref<64x128xf32, #tpu.memory_space<hbm>>) dst(%arg11 : memref<64x128xf32, #tpu.memory_space<vmem>>)
    %dma_wait3A_51 = arith.constant 0 : i32
    %dma_wait3A_52 = arith.constant 0 : i32
    %dma_wait3A_53 = tpu.memref_slice %arg7[%dma_wait3A_51, %dma_wait3A_52] : memref<4x64xi32, #tpu.memory_space<vmem>> -> memref<1x64xi32, #tpu.memory_space<vmem>>
    %dma_wait3A_54 = tpu.memref_squeeze %dma_wait3A_53 : memref<1x64xi32, #tpu.memory_space<vmem>> -> memref<64xi32, #tpu.memory_space<vmem>>
    %dma_wait3A_55 = arith.constant 0 : i32
    %dma_wait3A_56 = arith.constant 0 : i32
    %dma_wait3A_57 = tpu.memref_slice %arg5[%dma_wait3A_55, %dma_wait3A_56] : memref<10560x768xf32, #tpu.memory_space<hbm>> -> memref<10560x768xf32, #tpu.memory_space<hbm>>
    tpu.wait_indirect_dma semaphore(%arg14 : memref<!tpu.dma_semaphore, #tpu.memory_space<semaphore_mem>>) src(%arg8 : memref<64x768xf32, #tpu.memory_space<vmem>>) dst(%dma_wait3A_57 : memref<10560x768xf32, #tpu.memory_space<hbm>>)
    %dma_wait3A_58 = arith.constant 0 : i32
    %dma_wait3A_59 = arith.constant 0 : i32
    %dma_wait3A_60 = tpu.memref_slice %arg7[%dma_wait3A_58, %dma_wait3A_59] : memref<4x64xi32, #tpu.memory_space<vmem>> -> memref<1x64xi32, #tpu.memory_space<vmem>>
    %dma_wait3A_61 = tpu.memref_squeeze %dma_wait3A_60 : memref<1x64xi32, #tpu.memory_space<vmem>> -> memref<64xi32, #tpu.memory_space<vmem>>
    %dma_wait3A_62 = arith.constant 0 : i32
    %dma_wait3A_63 = arith.constant 0 : i32
    %dma_wait3A_64 = tpu.memref_slice %arg6[%dma_wait3A_62, %dma_wait3A_63] : memref<10560x128xf32, #tpu.memory_space<hbm>> -> memref<10560x128xf32, #tpu.memory_space<hbm>>
    tpu.wait_indirect_dma semaphore(%arg14 : memref<!tpu.dma_semaphore, #tpu.memory_space<semaphore_mem>>) src(%arg10 : memref<64x128xf32, #tpu.memory_space<vmem>>) dst(%dma_wait3A_64 : memref<10560x128xf32, #tpu.memory_space<hbm>>)
    %add3A_65 = arith.constant 128 : i32
    %add3A_66 = arith.addi %mul3A_2, %add3A_65 : i32
    %dma_start3A_67 = arith.constant 0 : i32
    %dma_start3A_68 = tpu.memref_slice %arg2[%add3A_66, %dma_start3A_67] : memref<8192x768xf32, #tpu.memory_space<hbm>> -> memref<64x768xf32, #tpu.memory_space<hbm>>
    %dma_start3A_69 = arith.constant 0 : i32
    %dma_start3A_70 = tpu.memref_slice %arg2[%add3A_66, %dma_start3A_69] : memref<8192x768xf32, #tpu.memory_space<hbm>> -> memref<64x768xf32, #tpu.memory_space<hbm>>
    tpu.enqueue_dma source(%dma_start3A_70 : memref<64x768xf32, #tpu.memory_space<hbm>>) target(%arg8 : memref<64x768xf32, #tpu.memory_space<vmem>>) target_semaphore(%arg12 : memref<!tpu.dma_semaphore, #tpu.memory_space<semaphore_mem>>)
    %dma_start3A_71 = arith.constant 0 : i32
    %dma_start3A_72 = tpu.memref_slice %arg3[%add3A_66, %dma_start3A_71] : memref<8192x128xf32, #tpu.memory_space<hbm>> -> memref<64x128xf32, #tpu.memory_space<hbm>>
    %dma_start3A_73 = arith.constant 0 : i32
    %dma_start3A_74 = tpu.memref_slice %arg3[%add3A_66, %dma_start3A_73] : memref<8192x128xf32, #tpu.memory_space<hbm>> -> memref<64x128xf32, #tpu.memory_space<hbm>>
    tpu.enqueue_dma source(%dma_start3A_74 : memref<64x128xf32, #tpu.memory_space<hbm>>) target(%arg10 : memref<64x128xf32, #tpu.memory_space<vmem>>) target_semaphore(%arg12 : memref<!tpu.dma_semaphore, #tpu.memory_space<semaphore_mem>>)
    %dma_start3A_75 = arith.constant 1 : i32
    %dma_start3A_76 = arith.constant 0 : i32
    %dma_start3A_77 = tpu.memref_slice %arg7[%dma_start3A_75, %dma_start3A_76] : memref<4x64xi32, #tpu.memory_space<vmem>> -> memref<1x64xi32, #tpu.memory_space<vmem>>
    %dma_start3A_78 = tpu.memref_squeeze %dma_start3A_77 : memref<1x64xi32, #tpu.memory_space<vmem>> -> memref<64xi32, #tpu.memory_space<vmem>>
    %dma_start3A_79 = arith.constant 0 : i32
    %dma_start3A_80 = arith.constant 0 : i32
    %dma_start3A_81 = tpu.memref_slice %arg5[%dma_start3A_79, %dma_start3A_80] : memref<10560x768xf32, #tpu.memory_space<hbm>> -> memref<10560x768xf32, #tpu.memory_space<hbm>>
    tpu.enqueue_indirect_dma source(%arg9 : memref<64x768xf32, #tpu.memory_space<vmem>>) target(%dma_start3A_81 : memref<10560x768xf32, #tpu.memory_space<hbm>>) offsets(%dma_start3A_78 : memref<64xi32, #tpu.memory_space<vmem>>) semaphore(%arg15 : memref<!tpu.dma_semaphore, #tpu.memory_space<semaphore_mem>>)
    %dma_start3A_82 = arith.constant 1 : i32
    %dma_start3A_83 = arith.constant 0 : i32
    %dma_start3A_84 = tpu.memref_slice %arg7[%dma_start3A_82, %dma_start3A_83] : memref<4x64xi32, #tpu.memory_space<vmem>> -> memref<1x64xi32, #tpu.memory_space<vmem>>
    %dma_start3A_85 = tpu.memref_squeeze %dma_start3A_84 : memref<1x64xi32, #tpu.memory_space<vmem>> -> memref<64xi32, #tpu.memory_space<vmem>>
    %dma_start3A_86 = arith.constant 0 : i32
    %dma_start3A_87 = arith.constant 0 : i32
    %dma_start3A_88 = tpu.memref_slice %arg6[%dma_start3A_86, %dma_start3A_87] : memref<10560x128xf32, #tpu.memory_space<hbm>> -> memref<10560x128xf32, #tpu.memory_space<hbm>>
    tpu.enqueue_indirect_dma source(%arg11 : memref<64x128xf32, #tpu.memory_space<vmem>>) target(%dma_start3A_88 : memref<10560x128xf32, #tpu.memory_space<hbm>>) offsets(%dma_start3A_85 : memref<64xi32, #tpu.memory_space<vmem>>) semaphore(%arg15 : memref<!tpu.dma_semaphore, #tpu.memory_space<semaphore_mem>>)
    %dma_wait3A_89 = arith.constant 0 : i32
    %dma_wait3A_90 = tpu.memref_slice %arg2[%add3A_66, %dma_wait3A_89] : memref<8192x768xf32, #tpu.memory_space<hbm>> -> memref<64x768xf32, #tpu.memory_space<hbm>>
    %dma_wait3A_91 = arith.constant 0 : i32
    %dma_wait3A_92 = tpu.memref_slice %arg2[%add3A_66, %dma_wait3A_91] : memref<8192x768xf32, #tpu.memory_space<hbm>> -> memref<64x768xf32, #tpu.memory_space<hbm>>
    tpu.wait_dma2 semaphore(%arg12 : memref<!tpu.dma_semaphore, #tpu.memory_space<semaphore_mem>>) src(%dma_wait3A_92 : memref<64x768xf32, #tpu.memory_space<hbm>>) dst(%arg8 : memref<64x768xf32, #tpu.memory_space<vmem>>)
    %dma_wait3A_93 = arith.constant 0 : i32
    %dma_wait3A_94 = tpu.memref_slice %arg3[%add3A_66, %dma_wait3A_93] : memref<8192x128xf32, #tpu.memory_space<hbm>> -> memref<64x128xf32, #tpu.memory_space<hbm>>
    %dma_wait3A_95 = arith.constant 0 : i32
    %dma_wait3A_96 = tpu.memref_slice %arg3[%add3A_66, %dma_wait3A_95] : memref<8192x128xf32, #tpu.memory_space<hbm>> -> memref<64x128xf32, #tpu.memory_space<hbm>>
    tpu.wait_dma2 semaphore(%arg12 : memref<!tpu.dma_semaphore, #tpu.memory_space<semaphore_mem>>) src(%dma_wait3A_96 : memref<64x128xf32, #tpu.memory_space<hbm>>) dst(%arg10 : memref<64x128xf32, #tpu.memory_space<vmem>>)
    %dma_wait3A_97 = arith.constant 1 : i32
    %dma_wait3A_98 = arith.constant 0 : i32
    %dma_wait3A_99 = tpu.memref_slice %arg7[%dma_wait3A_97, %dma_wait3A_98] : memref<4x64xi32, #tpu.memory_space<vmem>> -> memref<1x64xi32, #tpu.memory_space<vmem>>
    %dma_wait3A_100 = tpu.memref_squeeze %dma_wait3A_99 : memref<1x64xi32, #tpu.memory_space<vmem>> -> memref<64xi32, #tpu.memory_space<vmem>>
    %dma_wait3A_101 = arith.constant 0 : i32
    %dma_wait3A_102 = arith.constant 0 : i32
    %dma_wait3A_103 = tpu.memref_slice %arg5[%dma_wait3A_101, %dma_wait3A_102] : memref<10560x768xf32, #tpu.memory_space<hbm>> -> memref<10560x768xf32, #tpu.memory_space<hbm>>
    tpu.wait_indirect_dma semaphore(%arg15 : memref<!tpu.dma_semaphore, #tpu.memory_space<semaphore_mem>>) src(%arg9 : memref<64x768xf32, #tpu.memory_space<vmem>>) dst(%dma_wait3A_103 : memref<10560x768xf32, #tpu.memory_space<hbm>>)
    %dma_wait3A_104 = arith.constant 1 : i32
    %dma_wait3A_105 = arith.constant 0 : i32
    %dma_wait3A_106 = tpu.memref_slice %arg7[%dma_wait3A_104, %dma_wait3A_105] : memref<4x64xi32, #tpu.memory_space<vmem>> -> memref<1x64xi32, #tpu.memory_space<vmem>>
    %dma_wait3A_107 = tpu.memref_squeeze %dma_wait3A_106 : memref<1x64xi32, #tpu.memory_space<vmem>> -> memref<64xi32, #tpu.memory_space<vmem>>
    %dma_wait3A_108 = arith.constant 0 : i32
    %dma_wait3A_109 = arith.constant 0 : i32
    %dma_wait3A_110 = tpu.memref_slice %arg6[%dma_wait3A_108, %dma_wait3A_109] : memref<10560x128xf32, #tpu.memory_space<hbm>> -> memref<10560x128xf32, #tpu.memory_space<hbm>>
    tpu.wait_indirect_dma semaphore(%arg15 : memref<!tpu.dma_semaphore, #tpu.memory_space<semaphore_mem>>) src(%arg11 : memref<64x128xf32, #tpu.memory_space<vmem>>) dst(%dma_wait3A_110 : memref<10560x128xf32, #tpu.memory_space<hbm>>)
    %add3A_111 = arith.constant 192 : i32
    %add3A_112 = arith.addi %mul3A_2, %add3A_111 : i32
    %dma_start3A_113 = arith.constant 0 : i32
    %dma_start3A_114 = tpu.memref_slice %arg2[%add3A_112, %dma_start3A_113] : memref<8192x768xf32, #tpu.memory_space<hbm>> -> memref<64x768xf32, #tpu.memory_space<hbm>>
    %dma_start3A_115 = arith.constant 0 : i32
    %dma_start3A_116 = tpu.memref_slice %arg2[%add3A_112, %dma_start3A_115] : memref<8192x768xf32, #tpu.memory_space<hbm>> -> memref<64x768xf32, #tpu.memory_space<hbm>>
    tpu.enqueue_dma source(%dma_start3A_116 : memref<64x768xf32, #tpu.memory_space<hbm>>) target(%arg9 : memref<64x768xf32, #tpu.memory_space<vmem>>) target_semaphore(%arg13 : memref<!tpu.dma_semaphore, #tpu.memory_space<semaphore_mem>>)
    %dma_start3A_117 = arith.constant 0 : i32
    %dma_start3A_118 = tpu.memref_slice %arg3[%add3A_112, %dma_start3A_117] : memref<8192x128xf32, #tpu.memory_space<hbm>> -> memref<64x128xf32, #tpu.memory_space<hbm>>
    %dma_start3A_119 = arith.constant 0 : i32
    %dma_start3A_120 = tpu.memref_slice %arg3[%add3A_112, %dma_start3A_119] : memref<8192x128xf32, #tpu.memory_space<hbm>> -> memref<64x128xf32, #tpu.memory_space<hbm>>
    tpu.enqueue_dma source(%dma_start3A_120 : memref<64x128xf32, #tpu.memory_space<hbm>>) target(%arg11 : memref<64x128xf32, #tpu.memory_space<vmem>>) target_semaphore(%arg13 : memref<!tpu.dma_semaphore, #tpu.memory_space<semaphore_mem>>)
    %dma_start3A_121 = arith.constant 2 : i32
    %dma_start3A_122 = arith.constant 0 : i32
    %dma_start3A_123 = tpu.memref_slice %arg7[%dma_start3A_121, %dma_start3A_122] : memref<4x64xi32, #tpu.memory_space<vmem>> -> memref<1x64xi32, #tpu.memory_space<vmem>>
    %dma_start3A_124 = tpu.memref_squeeze %dma_start3A_123 : memref<1x64xi32, #tpu.memory_space<vmem>> -> memref<64xi32, #tpu.memory_space<vmem>>
    %dma_start3A_125 = arith.constant 0 : i32
    %dma_start3A_126 = arith.constant 0 : i32
    %dma_start3A_127 = tpu.memref_slice %arg5[%dma_start3A_125, %dma_start3A_126] : memref<10560x768xf32, #tpu.memory_space<hbm>> -> memref<10560x768xf32, #tpu.memory_space<hbm>>
    tpu.enqueue_indirect_dma source(%arg8 : memref<64x768xf32, #tpu.memory_space<vmem>>) target(%dma_start3A_127 : memref<10560x768xf32, #tpu.memory_space<hbm>>) offsets(%dma_start3A_124 : memref<64xi32, #tpu.memory_space<vmem>>) semaphore(%arg14 : memref<!tpu.dma_semaphore, #tpu.memory_space<semaphore_mem>>)
    %dma_start3A_128 = arith.constant 2 : i32
    %dma_start3A_129 = arith.constant 0 : i32
    %dma_start3A_130 = tpu.memref_slice %arg7[%dma_start3A_128, %dma_start3A_129] : memref<4x64xi32, #tpu.memory_space<vmem>> -> memref<1x64xi32, #tpu.memory_space<vmem>>
    %dma_start3A_131 = tpu.memref_squeeze %dma_start3A_130 : memref<1x64xi32, #tpu.memory_space<vmem>> -> memref<64xi32, #tpu.memory_space<vmem>>
    %dma_start3A_132 = arith.constant 0 : i32
    %dma_start3A_133 = arith.constant 0 : i32
    %dma_start3A_134 = tpu.memref_slice %arg6[%dma_start3A_132, %dma_start3A_133] : memref<10560x128xf32, #tpu.memory_space<hbm>> -> memref<10560x128xf32, #tpu.memory_space<hbm>>
    tpu.enqueue_indirect_dma source(%arg10 : memref<64x128xf32, #tpu.memory_space<vmem>>) target(%dma_start3A_134 : memref<10560x128xf32, #tpu.memory_space<hbm>>) offsets(%dma_start3A_131 : memref<64xi32, #tpu.memory_space<vmem>>) semaphore(%arg14 : memref<!tpu.dma_semaphore, #tpu.memory_space<semaphore_mem>>)
    %dma_wait3A_135 = arith.constant 0 : i32
    %dma_wait3A_136 = tpu.memref_slice %arg2[%add3A_112, %dma_wait3A_135] : memref<8192x768xf32, #tpu.memory_space<hbm>> -> memref<64x768xf32, #tpu.memory_space<hbm>>
    %dma_wait3A_137 = arith.constant 0 : i32
    %dma_wait3A_138 = tpu.memref_slice %arg2[%add3A_112, %dma_wait3A_137] : memref<8192x768xf32, #tpu.memory_space<hbm>> -> memref<64x768xf32, #tpu.memory_space<hbm>>
    tpu.wait_dma2 semaphore(%arg13 : memref<!tpu.dma_semaphore, #tpu.memory_space<semaphore_mem>>) src(%dma_wait3A_138 : memref<64x768xf32, #tpu.memory_space<hbm>>) dst(%arg9 : memref<64x768xf32, #tpu.memory_space<vmem>>)
    %dma_wait3A_139 = arith.constant 0 : i32
    %dma_wait3A_140 = tpu.memref_slice %arg3[%add3A_112, %dma_wait3A_139] : memref<8192x128xf32, #tpu.memory_space<hbm>> -> memref<64x128xf32, #tpu.memory_space<hbm>>
    %dma_wait3A_141 = arith.constant 0 : i32
    %dma_wait3A_142 = tpu.memref_slice %arg3[%add3A_112, %dma_wait3A_141] : memref<8192x128xf32, #tpu.memory_space<hbm>> -> memref<64x128xf32, #tpu.memory_space<hbm>>
    tpu.wait_dma2 semaphore(%arg13 : memref<!tpu.dma_semaphore, #tpu.memory_space<semaphore_mem>>) src(%dma_wait3A_142 : memref<64x128xf32, #tpu.memory_space<hbm>>) dst(%arg11 : memref<64x128xf32, #tpu.memory_space<vmem>>)
    %dma_start3A_143 = arith.constant 3 : i32
    %dma_start3A_144 = arith.constant 0 : i32
    %dma_start3A_145 = tpu.memref_slice %arg7[%dma_start3A_143, %dma_start3A_144] : memref<4x64xi32, #tpu.memory_space<vmem>> -> memref<1x64xi32, #tpu.memory_space<vmem>>
    %dma_start3A_146 = tpu.memref_squeeze %dma_start3A_145 : memref<1x64xi32, #tpu.memory_space<vmem>> -> memref<64xi32, #tpu.memory_space<vmem>>
    %dma_start3A_147 = arith.constant 0 : i32
    %dma_start3A_148 = arith.constant 0 : i32
    %dma_start3A_149 = tpu.memref_slice %arg5[%dma_start3A_147, %dma_start3A_148] : memref<10560x768xf32, #tpu.memory_space<hbm>> -> memref<10560x768xf32, #tpu.memory_space<hbm>>
    tpu.enqueue_indirect_dma source(%arg9 : memref<64x768xf32, #tpu.memory_space<vmem>>) target(%dma_start3A_149 : memref<10560x768xf32, #tpu.memory_space<hbm>>) offsets(%dma_start3A_146 : memref<64xi32, #tpu.memory_space<vmem>>) semaphore(%arg15 : memref<!tpu.dma_semaphore, #tpu.memory_space<semaphore_mem>>)
    %dma_start3A_150 = arith.constant 3 : i32
    %dma_start3A_151 = arith.constant 0 : i32
    %dma_start3A_152 = tpu.memref_slice %arg7[%dma_start3A_150, %dma_start3A_151] : memref<4x64xi32, #tpu.memory_space<vmem>> -> memref<1x64xi32, #tpu.memory_space<vmem>>
    %dma_start3A_153 = tpu.memref_squeeze %dma_start3A_152 : memref<1x64xi32, #tpu.memory_space<vmem>> -> memref<64xi32, #tpu.memory_space<vmem>>
    %dma_start3A_154 = arith.constant 0 : i32
    %dma_start3A_155 = arith.constant 0 : i32
    %dma_start3A_156 = tpu.memref_slice %arg6[%dma_start3A_154, %dma_start3A_155] : memref<10560x128xf32, #tpu.memory_space<hbm>> -> memref<10560x128xf32, #tpu.memory_space<hbm>>
    tpu.enqueue_indirect_dma source(%arg11 : memref<64x128xf32, #tpu.memory_space<vmem>>) target(%dma_start3A_156 : memref<10560x128xf32, #tpu.memory_space<hbm>>) offsets(%dma_start3A_153 : memref<64xi32, #tpu.memory_space<vmem>>) semaphore(%arg15 : memref<!tpu.dma_semaphore, #tpu.memory_space<semaphore_mem>>)
    %dma_wait3A_157 = arith.constant 2 : i32
    %dma_wait3A_158 = arith.constant 0 : i32
    %dma_wait3A_159 = tpu.memref_slice %arg7[%dma_wait3A_157, %dma_wait3A_158] : memref<4x64xi32, #tpu.memory_space<vmem>> -> memref<1x64xi32, #tpu.memory_space<vmem>>
    %dma_wait3A_160 = tpu.memref_squeeze %dma_wait3A_159 : memref<1x64xi32, #tpu.memory_space<vmem>> -> memref<64xi32, #tpu.memory_space<vmem>>
    %dma_wait3A_161 = arith.constant 0 : i32
    %dma_wait3A_162 = arith.constant 0 : i32
    %dma_wait3A_163 = tpu.memref_slice %arg5[%dma_wait3A_161, %dma_wait3A_162] : memref<10560x768xf32, #tpu.memory_space<hbm>> -> memref<10560x768xf32, #tpu.memory_space<hbm>>
    tpu.wait_indirect_dma semaphore(%arg14 : memref<!tpu.dma_semaphore, #tpu.memory_space<semaphore_mem>>) src(%arg8 : memref<64x768xf32, #tpu.memory_space<vmem>>) dst(%dma_wait3A_163 : memref<10560x768xf32, #tpu.memory_space<hbm>>)
    %dma_wait3A_164 = arith.constant 2 : i32
    %dma_wait3A_165 = arith.constant 0 : i32
    %dma_wait3A_166 = tpu.memref_slice %arg7[%dma_wait3A_164, %dma_wait3A_165] : memref<4x64xi32, #tpu.memory_space<vmem>> -> memref<1x64xi32, #tpu.memory_space<vmem>>
    %dma_wait3A_167 = tpu.memref_squeeze %dma_wait3A_166 : memref<1x64xi32, #tpu.memory_space<vmem>> -> memref<64xi32, #tpu.memory_space<vmem>>
    %dma_wait3A_168 = arith.constant 0 : i32
    %dma_wait3A_169 = arith.constant 0 : i32
    %dma_wait3A_170 = tpu.memref_slice %arg6[%dma_wait3A_168, %dma_wait3A_169] : memref<10560x128xf32, #tpu.memory_space<hbm>> -> memref<10560x128xf32, #tpu.memory_space<hbm>>
    tpu.wait_indirect_dma semaphore(%arg14 : memref<!tpu.dma_semaphore, #tpu.memory_space<semaphore_mem>>) src(%arg10 : memref<64x128xf32, #tpu.memory_space<vmem>>) dst(%dma_wait3A_170 : memref<10560x128xf32, #tpu.memory_space<hbm>>)
    %dma_wait3A_171 = arith.constant 3 : i32
    %dma_wait3A_172 = arith.constant 0 : i32
    %dma_wait3A_173 = tpu.memref_slice %arg7[%dma_wait3A_171, %dma_wait3A_172] : memref<4x64xi32, #tpu.memory_space<vmem>> -> memref<1x64xi32, #tpu.memory_space<vmem>>
    %dma_wait3A_174 = tpu.memref_squeeze %dma_wait3A_173 : memref<1x64xi32, #tpu.memory_space<vmem>> -> memref<64xi32, #tpu.memory_space<vmem>>
    %dma_wait3A_175 = arith.constant 0 : i32
    %dma_wait3A_176 = arith.constant 0 : i32
    %dma_wait3A_177 = tpu.memref_slice %arg5[%dma_wait3A_175, %dma_wait3A_176] : memref<10560x768xf32, #tpu.memory_space<hbm>> -> memref<10560x768xf32, #tpu.memory_space<hbm>>
    tpu.wait_indirect_dma semaphore(%arg15 : memref<!tpu.dma_semaphore, #tpu.memory_space<semaphore_mem>>) src(%arg9 : memref<64x768xf32, #tpu.memory_space<vmem>>) dst(%dma_wait3A_177 : memref<10560x768xf32, #tpu.memory_space<hbm>>)
    %dma_wait3A_178 = arith.constant 3 : i32
    %dma_wait3A_179 = arith.constant 0 : i32
    %dma_wait3A_180 = tpu.memref_slice %arg7[%dma_wait3A_178, %dma_wait3A_179] : memref<4x64xi32, #tpu.memory_space<vmem>> -> memref<1x64xi32, #tpu.memory_space<vmem>>
    %dma_wait3A_181 = tpu.memref_squeeze %dma_wait3A_180 : memref<1x64xi32, #tpu.memory_space<vmem>> -> memref<64xi32, #tpu.memory_space<vmem>>
    %dma_wait3A_182 = arith.constant 0 : i32
    %dma_wait3A_183 = arith.constant 0 : i32
    %dma_wait3A_184 = tpu.memref_slice %arg6[%dma_wait3A_182, %dma_wait3A_183] : memref<10560x128xf32, #tpu.memory_space<hbm>> -> memref<10560x128xf32, #tpu.memory_space<hbm>>
    tpu.wait_indirect_dma semaphore(%arg15 : memref<!tpu.dma_semaphore, #tpu.memory_space<semaphore_mem>>) src(%arg11 : memref<64x128xf32, #tpu.memory_space<vmem>>) dst(%dma_wait3A_184 : memref<10560x128xf32, #tpu.memory_space<hbm>>)
    return
  }
}

#map = affine_map<(d0, d1) -> (0, 0)>
#map1 = affine_map<(d0, d1) -> (0, 0, 0)>
module attributes {stable_mosaic.version = 14 : i64} {
  func.func @k(%arg0: i32, %arg1: i32, %arg2: memref<10560x768xf32, #tpu.memory_space<hbm>>, %arg3: memref<32x4x64xi32, #tpu.memory_space<hbm>>, %arg4: memref<8192x768xf32, #tpu.memory_space<hbm>>, %arg5: memref<4x64xi32, #tpu.memory_space<vmem>>, %arg6: memref<64x768xf32, #tpu.memory_space<vmem>>, %arg7: memref<64x768xf32, #tpu.memory_space<vmem>>, %arg8: memref<!tpu.dma_semaphore, #tpu.memory_space<semaphore_mem>>, %arg9: memref<!tpu.dma_semaphore, #tpu.memory_space<semaphore_mem>>, %arg10: memref<!tpu.dma_semaphore, #tpu.memory_space<semaphore_mem>>, %arg11: memref<!tpu.dma_semaphore, #tpu.memory_space<semaphore_mem>>) attributes {dimension_semantics = [#tpu.dimension_semantics<core_parallel>, #tpu.dimension_semantics<subcore_parallel>], iteration_bounds = array<i64: 2, 16>, scalar_prefetch = 0 : i64, scratch_operands = 7 : i64, tpu.core_type = #tpu.core_type<sc_vector_subcore>, window_params = [{transform_indices = #map}, {transform_indices = #map1}, {transform_indices = #map}]} {
    %mul3A = arith.constant 2 : i32
    %mul3A_0 = arith.muli %arg1, %mul3A : i32
    %add3A = arith.addi %mul3A_0, %arg0 : i32
    %mul3A_1 = arith.constant 256 : i32
    %mul3A_2 = arith.muli %add3A, %mul3A_1 : i32
    "tpu.region"() ({
      %run_scoped3A = tpu.sem_alloc : memref<!tpu.dma_semaphore, #tpu.memory_space<semaphore_mem>>
      %dma_start3A_97 = arith.constant 0 : i32
      %dma_start3A_98 = arith.constant 0 : i32
      %dma_start3A_99 = tpu.memref_slice %arg3[%add3A, %dma_start3A_97, %dma_start3A_98] : memref<32x4x64xi32, #tpu.memory_space<hbm>> -> memref<1x4x64xi32, #tpu.memory_space<hbm>>
      %dma_start3A_100 = tpu.memref_squeeze %dma_start3A_99 : memref<1x4x64xi32, #tpu.memory_space<hbm>> -> memref<4x64xi32, #tpu.memory_space<hbm>>
      %dma_start3A_101 = arith.constant 0 : i32
      %dma_start3A_102 = arith.constant 0 : i32
      %dma_start3A_103 = tpu.memref_slice %arg3[%add3A, %dma_start3A_101, %dma_start3A_102] : memref<32x4x64xi32, #tpu.memory_space<hbm>> -> memref<1x4x64xi32, #tpu.memory_space<hbm>>
      %dma_start3A_104 = tpu.memref_squeeze %dma_start3A_103 : memref<1x4x64xi32, #tpu.memory_space<hbm>> -> memref<4x64xi32, #tpu.memory_space<hbm>>
      tpu.enqueue_dma source(%dma_start3A_104 : memref<4x64xi32, #tpu.memory_space<hbm>>) target(%arg5 : memref<4x64xi32, #tpu.memory_space<vmem>>) target_semaphore(%run_scoped3A : memref<!tpu.dma_semaphore, #tpu.memory_space<semaphore_mem>>)
      %dma_wait3A_105 = arith.constant 0 : i32
      %dma_wait3A_106 = arith.constant 0 : i32
      %dma_wait3A_107 = tpu.memref_slice %arg3[%add3A, %dma_wait3A_105, %dma_wait3A_106] : memref<32x4x64xi32, #tpu.memory_space<hbm>> -> memref<1x4x64xi32, #tpu.memory_space<hbm>>
      %dma_wait3A_108 = tpu.memref_squeeze %dma_wait3A_107 : memref<1x4x64xi32, #tpu.memory_space<hbm>> -> memref<4x64xi32, #tpu.memory_space<hbm>>
      %dma_wait3A_109 = arith.constant 0 : i32
      %dma_wait3A_110 = arith.constant 0 : i32
      %dma_wait3A_111 = tpu.memref_slice %arg3[%add3A, %dma_wait3A_109, %dma_wait3A_110] : memref<32x4x64xi32, #tpu.memory_space<hbm>> -> memref<1x4x64xi32, #tpu.memory_space<hbm>>
      %dma_wait3A_112 = tpu.memref_squeeze %dma_wait3A_111 : memref<1x4x64xi32, #tpu.memory_space<hbm>> -> memref<4x64xi32, #tpu.memory_space<hbm>>
      tpu.wait_dma2 semaphore(%run_scoped3A : memref<!tpu.dma_semaphore, #tpu.memory_space<semaphore_mem>>) src(%dma_wait3A_112 : memref<4x64xi32, #tpu.memory_space<hbm>>) dst(%arg5 : memref<4x64xi32, #tpu.memory_space<vmem>>)
      tpu.yield
    }) : () -> ()
    %dma_start3A = arith.constant 0 : i32
    %dma_start3A_3 = arith.constant 0 : i32
    %dma_start3A_4 = tpu.memref_slice %arg5[%dma_start3A, %dma_start3A_3] : memref<4x64xi32, #tpu.memory_space<vmem>> -> memref<1x64xi32, #tpu.memory_space<vmem>>
    %dma_start3A_5 = tpu.memref_squeeze %dma_start3A_4 : memref<1x64xi32, #tpu.memory_space<vmem>> -> memref<64xi32, #tpu.memory_space<vmem>>
    %dma_start3A_6 = arith.constant 0 : i32
    %dma_start3A_7 = arith.constant 0 : i32
    %dma_start3A_8 = tpu.memref_slice %arg2[%dma_start3A_6, %dma_start3A_7] : memref<10560x768xf32, #tpu.memory_space<hbm>> -> memref<10560x768xf32, #tpu.memory_space<hbm>>
    tpu.enqueue_indirect_dma source(%dma_start3A_8 : memref<10560x768xf32, #tpu.memory_space<hbm>>) target(%arg6 : memref<64x768xf32, #tpu.memory_space<vmem>>) offsets(%dma_start3A_5 : memref<64xi32, #tpu.memory_space<vmem>>) semaphore(%arg8 : memref<!tpu.dma_semaphore, #tpu.memory_space<semaphore_mem>>)
    %dma_wait3A = arith.constant 0 : i32
    %dma_wait3A_9 = arith.constant 0 : i32
    %dma_wait3A_10 = tpu.memref_slice %arg5[%dma_wait3A, %dma_wait3A_9] : memref<4x64xi32, #tpu.memory_space<vmem>> -> memref<1x64xi32, #tpu.memory_space<vmem>>
    %dma_wait3A_11 = tpu.memref_squeeze %dma_wait3A_10 : memref<1x64xi32, #tpu.memory_space<vmem>> -> memref<64xi32, #tpu.memory_space<vmem>>
    %dma_wait3A_12 = arith.constant 0 : i32
    %dma_wait3A_13 = arith.constant 0 : i32
    %dma_wait3A_14 = tpu.memref_slice %arg2[%dma_wait3A_12, %dma_wait3A_13] : memref<10560x768xf32, #tpu.memory_space<hbm>> -> memref<10560x768xf32, #tpu.memory_space<hbm>>
    tpu.wait_indirect_dma semaphore(%arg8 : memref<!tpu.dma_semaphore, #tpu.memory_space<semaphore_mem>>) src(%dma_wait3A_14 : memref<10560x768xf32, #tpu.memory_space<hbm>>) dst(%arg6 : memref<64x768xf32, #tpu.memory_space<vmem>>)
    %dma_start3A_15 = arith.constant 1 : i32
    %dma_start3A_16 = arith.constant 0 : i32
    %dma_start3A_17 = tpu.memref_slice %arg5[%dma_start3A_15, %dma_start3A_16] : memref<4x64xi32, #tpu.memory_space<vmem>> -> memref<1x64xi32, #tpu.memory_space<vmem>>
    %dma_start3A_18 = tpu.memref_squeeze %dma_start3A_17 : memref<1x64xi32, #tpu.memory_space<vmem>> -> memref<64xi32, #tpu.memory_space<vmem>>
    %dma_start3A_19 = arith.constant 0 : i32
    %dma_start3A_20 = arith.constant 0 : i32
    %dma_start3A_21 = tpu.memref_slice %arg2[%dma_start3A_19, %dma_start3A_20] : memref<10560x768xf32, #tpu.memory_space<hbm>> -> memref<10560x768xf32, #tpu.memory_space<hbm>>
    tpu.enqueue_indirect_dma source(%dma_start3A_21 : memref<10560x768xf32, #tpu.memory_space<hbm>>) target(%arg7 : memref<64x768xf32, #tpu.memory_space<vmem>>) offsets(%dma_start3A_18 : memref<64xi32, #tpu.memory_space<vmem>>) semaphore(%arg9 : memref<!tpu.dma_semaphore, #tpu.memory_space<semaphore_mem>>)
    %add3A_22 = arith.constant 0 : i32
    %add3A_23 = arith.addi %mul3A_2, %add3A_22 : i32
    %dma_start3A_24 = arith.constant 0 : i32
    %dma_start3A_25 = tpu.memref_slice %arg4[%add3A_23, %dma_start3A_24] : memref<8192x768xf32, #tpu.memory_space<hbm>> -> memref<64x768xf32, #tpu.memory_space<hbm>>
    %dma_start3A_26 = arith.constant 0 : i32
    %dma_start3A_27 = tpu.memref_slice %arg4[%add3A_23, %dma_start3A_26] : memref<8192x768xf32, #tpu.memory_space<hbm>> -> memref<64x768xf32, #tpu.memory_space<hbm>>
    tpu.enqueue_dma source(%arg6 : memref<64x768xf32, #tpu.memory_space<vmem>>) target(%dma_start3A_27 : memref<64x768xf32, #tpu.memory_space<hbm>>) target_semaphore(%arg10 : memref<!tpu.dma_semaphore, #tpu.memory_space<semaphore_mem>>)
    %dma_wait3A_28 = arith.constant 1 : i32
    %dma_wait3A_29 = arith.constant 0 : i32
    %dma_wait3A_30 = tpu.memref_slice %arg5[%dma_wait3A_28, %dma_wait3A_29] : memref<4x64xi32, #tpu.memory_space<vmem>> -> memref<1x64xi32, #tpu.memory_space<vmem>>
    %dma_wait3A_31 = tpu.memref_squeeze %dma_wait3A_30 : memref<1x64xi32, #tpu.memory_space<vmem>> -> memref<64xi32, #tpu.memory_space<vmem>>
    %dma_wait3A_32 = arith.constant 0 : i32
    %dma_wait3A_33 = arith.constant 0 : i32
    %dma_wait3A_34 = tpu.memref_slice %arg2[%dma_wait3A_32, %dma_wait3A_33] : memref<10560x768xf32, #tpu.memory_space<hbm>> -> memref<10560x768xf32, #tpu.memory_space<hbm>>
    tpu.wait_indirect_dma semaphore(%arg9 : memref<!tpu.dma_semaphore, #tpu.memory_space<semaphore_mem>>) src(%dma_wait3A_34 : memref<10560x768xf32, #tpu.memory_space<hbm>>) dst(%arg7 : memref<64x768xf32, #tpu.memory_space<vmem>>)
    %dma_wait3A_35 = arith.constant 0 : i32
    %dma_wait3A_36 = tpu.memref_slice %arg4[%add3A_23, %dma_wait3A_35] : memref<8192x768xf32, #tpu.memory_space<hbm>> -> memref<64x768xf32, #tpu.memory_space<hbm>>
    %dma_wait3A_37 = arith.constant 0 : i32
    %dma_wait3A_38 = tpu.memref_slice %arg4[%add3A_23, %dma_wait3A_37] : memref<8192x768xf32, #tpu.memory_space<hbm>> -> memref<64x768xf32, #tpu.memory_space<hbm>>
    tpu.wait_dma2 semaphore(%arg10 : memref<!tpu.dma_semaphore, #tpu.memory_space<semaphore_mem>>) src(%arg6 : memref<64x768xf32, #tpu.memory_space<vmem>>) dst(%dma_wait3A_38 : memref<64x768xf32, #tpu.memory_space<hbm>>)
    %dma_start3A_39 = arith.constant 2 : i32
    %dma_start3A_40 = arith.constant 0 : i32
    %dma_start3A_41 = tpu.memref_slice %arg5[%dma_start3A_39, %dma_start3A_40] : memref<4x64xi32, #tpu.memory_space<vmem>> -> memref<1x64xi32, #tpu.memory_space<vmem>>
    %dma_start3A_42 = tpu.memref_squeeze %dma_start3A_41 : memref<1x64xi32, #tpu.memory_space<vmem>> -> memref<64xi32, #tpu.memory_space<vmem>>
    %dma_start3A_43 = arith.constant 0 : i32
    %dma_start3A_44 = arith.constant 0 : i32
    %dma_start3A_45 = tpu.memref_slice %arg2[%dma_start3A_43, %dma_start3A_44] : memref<10560x768xf32, #tpu.memory_space<hbm>> -> memref<10560x768xf32, #tpu.memory_space<hbm>>
    tpu.enqueue_indirect_dma source(%dma_start3A_45 : memref<10560x768xf32, #tpu.memory_space<hbm>>) target(%arg6 : memref<64x768xf32, #tpu.memory_space<vmem>>) offsets(%dma_start3A_42 : memref<64xi32, #tpu.memory_space<vmem>>) semaphore(%arg8 : memref<!tpu.dma_semaphore, #tpu.memory_space<semaphore_mem>>)
    %add3A_46 = arith.constant 64 : i32
    %add3A_47 = arith.addi %mul3A_2, %add3A_46 : i32
    %dma_start3A_48 = arith.constant 0 : i32
    %dma_start3A_49 = tpu.memref_slice %arg4[%add3A_47, %dma_start3A_48] : memref<8192x768xf32, #tpu.memory_space<hbm>> -> memref<64x768xf32, #tpu.memory_space<hbm>>
    %dma_start3A_50 = arith.constant 0 : i32
    %dma_start3A_51 = tpu.memref_slice %arg4[%add3A_47, %dma_start3A_50] : memref<8192x768xf32, #tpu.memory_space<hbm>> -> memref<64x768xf32, #tpu.memory_space<hbm>>
    tpu.enqueue_dma source(%arg7 : memref<64x768xf32, #tpu.memory_space<vmem>>) target(%dma_start3A_51 : memref<64x768xf32, #tpu.memory_space<hbm>>) target_semaphore(%arg11 : memref<!tpu.dma_semaphore, #tpu.memory_space<semaphore_mem>>)
    %dma_wait3A_52 = arith.constant 2 : i32
    %dma_wait3A_53 = arith.constant 0 : i32
    %dma_wait3A_54 = tpu.memref_slice %arg5[%dma_wait3A_52, %dma_wait3A_53] : memref<4x64xi32, #tpu.memory_space<vmem>> -> memref<1x64xi32, #tpu.memory_space<vmem>>
    %dma_wait3A_55 = tpu.memref_squeeze %dma_wait3A_54 : memref<1x64xi32, #tpu.memory_space<vmem>> -> memref<64xi32, #tpu.memory_space<vmem>>
    %dma_wait3A_56 = arith.constant 0 : i32
    %dma_wait3A_57 = arith.constant 0 : i32
    %dma_wait3A_58 = tpu.memref_slice %arg2[%dma_wait3A_56, %dma_wait3A_57] : memref<10560x768xf32, #tpu.memory_space<hbm>> -> memref<10560x768xf32, #tpu.memory_space<hbm>>
    tpu.wait_indirect_dma semaphore(%arg8 : memref<!tpu.dma_semaphore, #tpu.memory_space<semaphore_mem>>) src(%dma_wait3A_58 : memref<10560x768xf32, #tpu.memory_space<hbm>>) dst(%arg6 : memref<64x768xf32, #tpu.memory_space<vmem>>)
    %dma_wait3A_59 = arith.constant 0 : i32
    %dma_wait3A_60 = tpu.memref_slice %arg4[%add3A_47, %dma_wait3A_59] : memref<8192x768xf32, #tpu.memory_space<hbm>> -> memref<64x768xf32, #tpu.memory_space<hbm>>
    %dma_wait3A_61 = arith.constant 0 : i32
    %dma_wait3A_62 = tpu.memref_slice %arg4[%add3A_47, %dma_wait3A_61] : memref<8192x768xf32, #tpu.memory_space<hbm>> -> memref<64x768xf32, #tpu.memory_space<hbm>>
    tpu.wait_dma2 semaphore(%arg11 : memref<!tpu.dma_semaphore, #tpu.memory_space<semaphore_mem>>) src(%arg7 : memref<64x768xf32, #tpu.memory_space<vmem>>) dst(%dma_wait3A_62 : memref<64x768xf32, #tpu.memory_space<hbm>>)
    %dma_start3A_63 = arith.constant 3 : i32
    %dma_start3A_64 = arith.constant 0 : i32
    %dma_start3A_65 = tpu.memref_slice %arg5[%dma_start3A_63, %dma_start3A_64] : memref<4x64xi32, #tpu.memory_space<vmem>> -> memref<1x64xi32, #tpu.memory_space<vmem>>
    %dma_start3A_66 = tpu.memref_squeeze %dma_start3A_65 : memref<1x64xi32, #tpu.memory_space<vmem>> -> memref<64xi32, #tpu.memory_space<vmem>>
    %dma_start3A_67 = arith.constant 0 : i32
    %dma_start3A_68 = arith.constant 0 : i32
    %dma_start3A_69 = tpu.memref_slice %arg2[%dma_start3A_67, %dma_start3A_68] : memref<10560x768xf32, #tpu.memory_space<hbm>> -> memref<10560x768xf32, #tpu.memory_space<hbm>>
    tpu.enqueue_indirect_dma source(%dma_start3A_69 : memref<10560x768xf32, #tpu.memory_space<hbm>>) target(%arg7 : memref<64x768xf32, #tpu.memory_space<vmem>>) offsets(%dma_start3A_66 : memref<64xi32, #tpu.memory_space<vmem>>) semaphore(%arg9 : memref<!tpu.dma_semaphore, #tpu.memory_space<semaphore_mem>>)
    %add3A_70 = arith.constant 128 : i32
    %add3A_71 = arith.addi %mul3A_2, %add3A_70 : i32
    %dma_start3A_72 = arith.constant 0 : i32
    %dma_start3A_73 = tpu.memref_slice %arg4[%add3A_71, %dma_start3A_72] : memref<8192x768xf32, #tpu.memory_space<hbm>> -> memref<64x768xf32, #tpu.memory_space<hbm>>
    %dma_start3A_74 = arith.constant 0 : i32
    %dma_start3A_75 = tpu.memref_slice %arg4[%add3A_71, %dma_start3A_74] : memref<8192x768xf32, #tpu.memory_space<hbm>> -> memref<64x768xf32, #tpu.memory_space<hbm>>
    tpu.enqueue_dma source(%arg6 : memref<64x768xf32, #tpu.memory_space<vmem>>) target(%dma_start3A_75 : memref<64x768xf32, #tpu.memory_space<hbm>>) target_semaphore(%arg10 : memref<!tpu.dma_semaphore, #tpu.memory_space<semaphore_mem>>)
    %dma_wait3A_76 = arith.constant 3 : i32
    %dma_wait3A_77 = arith.constant 0 : i32
    %dma_wait3A_78 = tpu.memref_slice %arg5[%dma_wait3A_76, %dma_wait3A_77] : memref<4x64xi32, #tpu.memory_space<vmem>> -> memref<1x64xi32, #tpu.memory_space<vmem>>
    %dma_wait3A_79 = tpu.memref_squeeze %dma_wait3A_78 : memref<1x64xi32, #tpu.memory_space<vmem>> -> memref<64xi32, #tpu.memory_space<vmem>>
    %dma_wait3A_80 = arith.constant 0 : i32
    %dma_wait3A_81 = arith.constant 0 : i32
    %dma_wait3A_82 = tpu.memref_slice %arg2[%dma_wait3A_80, %dma_wait3A_81] : memref<10560x768xf32, #tpu.memory_space<hbm>> -> memref<10560x768xf32, #tpu.memory_space<hbm>>
    tpu.wait_indirect_dma semaphore(%arg9 : memref<!tpu.dma_semaphore, #tpu.memory_space<semaphore_mem>>) src(%dma_wait3A_82 : memref<10560x768xf32, #tpu.memory_space<hbm>>) dst(%arg7 : memref<64x768xf32, #tpu.memory_space<vmem>>)
    %add3A_83 = arith.constant 192 : i32
    %add3A_84 = arith.addi %mul3A_2, %add3A_83 : i32
    %dma_start3A_85 = arith.constant 0 : i32
    %dma_start3A_86 = tpu.memref_slice %arg4[%add3A_84, %dma_start3A_85] : memref<8192x768xf32, #tpu.memory_space<hbm>> -> memref<64x768xf32, #tpu.memory_space<hbm>>
    %dma_start3A_87 = arith.constant 0 : i32
    %dma_start3A_88 = tpu.memref_slice %arg4[%add3A_84, %dma_start3A_87] : memref<8192x768xf32, #tpu.memory_space<hbm>> -> memref<64x768xf32, #tpu.memory_space<hbm>>
    tpu.enqueue_dma source(%arg7 : memref<64x768xf32, #tpu.memory_space<vmem>>) target(%dma_start3A_88 : memref<64x768xf32, #tpu.memory_space<hbm>>) target_semaphore(%arg11 : memref<!tpu.dma_semaphore, #tpu.memory_space<semaphore_mem>>)
    %dma_wait3A_89 = arith.constant 0 : i32
    %dma_wait3A_90 = tpu.memref_slice %arg4[%add3A_71, %dma_wait3A_89] : memref<8192x768xf32, #tpu.memory_space<hbm>> -> memref<64x768xf32, #tpu.memory_space<hbm>>
    %dma_wait3A_91 = arith.constant 0 : i32
    %dma_wait3A_92 = tpu.memref_slice %arg4[%add3A_71, %dma_wait3A_91] : memref<8192x768xf32, #tpu.memory_space<hbm>> -> memref<64x768xf32, #tpu.memory_space<hbm>>
    tpu.wait_dma2 semaphore(%arg10 : memref<!tpu.dma_semaphore, #tpu.memory_space<semaphore_mem>>) src(%arg6 : memref<64x768xf32, #tpu.memory_space<vmem>>) dst(%dma_wait3A_92 : memref<64x768xf32, #tpu.memory_space<hbm>>)
    %dma_wait3A_93 = arith.constant 0 : i32
    %dma_wait3A_94 = tpu.memref_slice %arg4[%add3A_84, %dma_wait3A_93] : memref<8192x768xf32, #tpu.memory_space<hbm>> -> memref<64x768xf32, #tpu.memory_space<hbm>>
    %dma_wait3A_95 = arith.constant 0 : i32
    %dma_wait3A_96 = tpu.memref_slice %arg4[%add3A_84, %dma_wait3A_95] : memref<8192x768xf32, #tpu.memory_space<hbm>> -> memref<64x768xf32, #tpu.memory_space<hbm>>
    tpu.wait_dma2 semaphore(%arg11 : memref<!tpu.dma_semaphore, #tpu.memory_space<semaphore_mem>>) src(%arg7 : memref<64x768xf32, #tpu.memory_space<vmem>>) dst(%dma_wait3A_96 : memref<64x768xf32, #tpu.memory_space<hbm>>)
    return
  }
}

module attributes {stable_mosaic.version = 14 : i64} {
  func.func @_router_body(%arg0: i32, %arg1: memref<1024x768xf32, #tpu.memory_space<vmem>>, %arg2: memref<768x64xf32, #tpu.memory_space<vmem>>, %arg3: memref<1024x128xf32, #tpu.memory_space<vmem>>, %arg4: memref<1024x1xi32, #tpu.memory_space<vmem>>, %arg5: memref<1x1xf32, #tpu.memory_space<vmem>>, %arg6: memref<1x64xf32, #tpu.memory_space<vmem>>, %arg7: memref<1x64xf32, #tpu.memory_space<vmem>>) attributes {dimension_semantics = [#tpu.dimension_semantics<arbitrary>], iteration_bounds = array<i64: 8>, scalar_prefetch = 0 : i64, scratch_operands = 2 : i64, tpu.core_type = #tpu.core_type<tc>, window_params = [{transform_indices = @transform_0, window_bounds = array<i64: 1024, 768>}, {pipeline_mode = #tpu.pipeline_mode<synchronous>, transform_indices = @transform_1, window_bounds = array<i64: 768, 64>}, {transform_indices = @transform_2, window_bounds = array<i64: 1024, 128>}, {transform_indices = @transform_3, window_bounds = array<i64: 1024, 1>}, {pipeline_mode = #tpu.pipeline_mode<synchronous>, transform_indices = @transform_4, window_bounds = array<i64: 1, 1>}]} {
    %eq3A = arith.constant 0 : i32
    %eq3A_0 = arith.cmpi eq, %arg0, %eq3A : i32
    %convert_element_type3A = arith.extui %eq3A_0 : i1 to i32
    %cond3A = arith.constant 0 : i32
    %cond3A_1 = arith.cmpi ne, %convert_element_type3A, %cond3A : i32
    scf.if %cond3A_1 {
      %broadcast_in_dim3A_78 = arith.constant 0.000000e+00 : f32
      %broadcast_in_dim3A_79 = vector.broadcast %broadcast_in_dim3A_78 : f32 to vector<1x64xf32>
      %swap3A_80 = arith.constant 0 : index
      %swap3A_81 = arith.constant 0 : index
      %swap3A_82 = vector.load %arg6[%swap3A_80, %swap3A_81] : memref<1x64xf32, #tpu.memory_space<vmem>>, vector<1x64xf32>
      tpu.vector_store %arg6[%swap3A_80, %swap3A_81], %broadcast_in_dim3A_79 {strides = array<i32>} : memref<1x64xf32, #tpu.memory_space<vmem>>, vector<1x64xf32>,
      %broadcast_in_dim3A_83 = arith.constant 0.000000e+00 : f32
      %broadcast_in_dim3A_84 = vector.broadcast %broadcast_in_dim3A_83 : f32 to vector<1x64xf32>
      %swap3A_85 = arith.constant 0 : index
      %swap3A_86 = arith.constant 0 : index
      %swap3A_87 = vector.load %arg7[%swap3A_85, %swap3A_86] : memref<1x64xf32, #tpu.memory_space<vmem>>, vector<1x64xf32>
      tpu.vector_store %arg7[%swap3A_85, %swap3A_86], %broadcast_in_dim3A_84 {strides = array<i32>} : memref<1x64xf32, #tpu.memory_space<vmem>>, vector<1x64xf32>,
      %broadcast_in_dim3A_88 = arith.constant 0.000000e+00 : f32
      %broadcast_in_dim3A_89 = vector.broadcast %broadcast_in_dim3A_88 : f32 to vector<1x1xf32>
      %swap3A_90 = arith.constant 0 : index
      %swap3A_91 = arith.constant 0 : index
      %swap3A_92 = vector.load %arg5[%swap3A_90, %swap3A_91] : memref<1x1xf32, #tpu.memory_space<vmem>>, vector<1x1xf32>
      tpu.vector_store %arg5[%swap3A_90, %swap3A_91], %broadcast_in_dim3A_89 {strides = array<i32>} : memref<1x1xf32, #tpu.memory_space<vmem>>, vector<1x1xf32>,
    } else {
    }
    %get3A = arith.constant 0 : index
    %get3A_2 = arith.constant 0 : index
    %get3A_3 = vector.load %arg1[%get3A, %get3A_2] : memref<1024x768xf32, #tpu.memory_space<vmem>>, vector<1024x768xf32>
    %get3A_4 = arith.constant 0 : index
    %get3A_5 = arith.constant 0 : index
    %get3A_6 = vector.load %arg2[%get3A_4, %get3A_5] : memref<768x64xf32, #tpu.memory_space<vmem>>, vector<768x64xf32>
    %dot_general3A = arith.constant dense<0.000000e+00> : vector<1024x64xf32>
    %dot_general3A_7 = tpu.matmul %get3A_3, %get3A_6, %dot_general3A {dimension_numbers = #tpu.dot_dimension_numbers<[1], [0], [0], [1], [0, 0, 1, 1], [], []>, transpose_lhs_hint = false} : vector<1024x768xf32>, vector<768x64xf32>, vector<1024x64xf32> -> vector<1024x64xf32>
    %reduce_max3A = arith.constant dense<0xFF800000> : vector<1024xf32>
    %reduce_max3A_8 = vector.multi_reduction <maximumf>, %dot_general3A_7, %reduce_max3A [1] : vector<1024x64xf32> to vector<1024xf32>
    %broadcast_in_dim3A = vector.shape_cast %reduce_max3A_8 : vector<1024xf32> to vector<1024x1xf32>
    %sub3A = vector.broadcast %broadcast_in_dim3A : vector<1024x1xf32> to vector<1024x64xf32>
    %sub3A_9 = arith.subf %dot_general3A_7, %sub3A : vector<1024x64xf32>
    %exp3A = math.exp %sub3A_9 : vector<1024x64xf32>
    %reduce_sum3A = arith.constant dense<0.000000e+00> : vector<1024xf32>
    %reduce_sum3A_10 = vector.multi_reduction <add>, %exp3A, %reduce_sum3A [1] : vector<1024x64xf32> to vector<1024xf32>
    %broadcast_in_dim3A_11 = vector.shape_cast %reduce_sum3A_10 : vector<1024xf32> to vector<1024x1xf32>
    %div3A = vector.broadcast %broadcast_in_dim3A_11 : vector<1024x1xf32> to vector<1024x64xf32>
    %div3A_12 = arith.divf %exp3A, %div3A : vector<1024x64xf32>
    %reduce_max3A_13 = arith.constant dense<0xFF800000> : vector<1024xf32>
    %reduce_max3A_14 = vector.multi_reduction <maximumf>, %div3A_12, %reduce_max3A_13 [1] : vector<1024x64xf32> to vector<1024xf32>
    %broadcast_in_dim3A_15 = vector.shape_cast %reduce_max3A_14 : vector<1024xf32> to vector<1024x1xf32>
    %iota3A = tpu.iota {dimensions = array<i32: 1>} : vector<1024x64xi32>
    %eq3A_16 = vector.broadcast %broadcast_in_dim3A : vector<1024x1xf32> to vector<1024x64xf32>
    %eq3A_17 = arith.cmpf oeq, %dot_general3A_7, %eq3A_16 : vector<1024x64xf32>
    %jit3A = arith.constant 64 : i32
    %broadcast_in_dim3A_18 = vector.broadcast %jit3A : i32 to vector<1024x64xi32>
    %select_n3A = arith.select %eq3A_17, %iota3A, %broadcast_in_dim3A_18 : vector<1024x64xi1>, vector<1024x64xi32>
    %reduce_min3A = arith.constant dense<2147483647> : vector<1024xi32>
    %reduce_min3A_19 = vector.multi_reduction <minsi>, %select_n3A, %reduce_min3A [1] : vector<1024x64xi32> to vector<1024xi32>
    %broadcast_in_dim3A_20 = vector.shape_cast %reduce_min3A_19 : vector<1024xi32> to vector<1024x1xi32>
    %eq3A_21 = vector.broadcast %broadcast_in_dim3A_20 : vector<1024x1xi32> to vector<1024x64xi32>
    %eq3A_22 = arith.cmpi eq, %iota3A, %eq3A_21 : vector<1024x64xi32>
    %convert_element_type3A_23 = arith.extui %eq3A_22 : vector<1024x64xi1> to vector<1024x64xi32>
    %convert_element_type3A_24 = arith.sitofp %convert_element_type3A_23 : vector<1024x64xi32> to vector<1024x64xf32>
    %iota3A_25 = tpu.iota {dimensions = array<i32: 0>} : vector<1024x1024xi32>
    %iota3A_26 = tpu.iota {dimensions = array<i32: 1>} : vector<1024x1024xi32>
    %lt3A = arith.cmpi slt, %iota3A_26, %iota3A_25 : vector<1024x1024xi32>
    %convert_element_type3A_27 = arith.extui %lt3A : vector<1024x1024xi1> to vector<1024x1024xi32>
    %convert_element_type3A_28 = arith.sitofp %convert_element_type3A_27 : vector<1024x1024xi32> to vector<1024x1024xf32>
    %dot_general3A_29 = arith.constant dense<0.000000e+00> : vector<1024x64xf32>
    %dot_general3A_30 = tpu.matmul %convert_element_type3A_28, %convert_element_type3A_24, %dot_general3A_29 {dimension_numbers = #tpu.dot_dimension_numbers<[1], [0], [0], [1], [0, 0, 1, 1], [], []>, transpose_lhs_hint = false} : vector<1024x1024xf32>, vector<1024x64xf32>, vector<1024x64xf32> -> vector<1024x64xf32>
    %get3A_31 = arith.constant 0 : index
    %get3A_32 = arith.constant 0 : index
    %get3A_33 = vector.load %arg6[%get3A_31, %get3A_32] : memref<1x64xf32, #tpu.memory_space<vmem>>, vector<1x64xf32>
    %add3A = vector.broadcast %get3A_33 : vector<1x64xf32> to vector<1024x64xf32>
    %add3A_34 = arith.addf %dot_general3A_30, %add3A : vector<1024x64xf32>
    %mul3A = arith.mulf %convert_element_type3A_24, %add3A_34 : vector<1024x64xf32>
    %reduce_sum3A_35 = arith.constant dense<0.000000e+00> : vector<1024xf32>
    %reduce_sum3A_36 = vector.multi_reduction <add>, %mul3A, %reduce_sum3A_35 [1] : vector<1024x64xf32> to vector<1024xf32>
    %broadcast_in_dim3A_37 = vector.shape_cast %reduce_sum3A_36 : vector<1024xf32> to vector<1024x1xf32>
    %convert_element_type3A_38 = arith.fptosi %broadcast_in_dim3A_37 : vector<1024x1xf32> to vector<1024x1xi32>
    %reduce_sum3A_39 = arith.constant dense<0.000000e+00> : vector<64xf32>
    %reduce_sum3A_40 = vector.multi_reduction <add>, %convert_element_type3A_24, %reduce_sum3A_39 [0] : vector<1024x64xf32> to vector<64xf32>
    %broadcast_in_dim3A_41 = vector.shape_cast %reduce_sum3A_40 : vector<64xf32> to vector<1x64xf32>
    %add3A_42 = arith.addf %get3A_33, %broadcast_in_dim3A_41 : vector<1x64xf32>
    %swap3A = arith.constant 0 : index
    %swap3A_43 = arith.constant 0 : index
    %swap3A_44 = vector.load %arg6[%swap3A, %swap3A_43] : memref<1x64xf32, #tpu.memory_space<vmem>>, vector<1x64xf32>
    tpu.vector_store %arg6[%swap3A, %swap3A_43], %add3A_42 {strides = array<i32>} : memref<1x64xf32, #tpu.memory_space<vmem>>, vector<1x64xf32>,
    %get3A_45 = arith.constant 0 : index
    %get3A_46 = arith.constant 0 : index
    %get3A_47 = vector.load %arg7[%get3A_45, %get3A_46] : memref<1x64xf32, #tpu.memory_space<vmem>>, vector<1x64xf32>
    %reduce_sum3A_48 = arith.constant dense<0.000000e+00> : vector<64xf32>
    %reduce_sum3A_49 = vector.multi_reduction <add>, %div3A_12, %reduce_sum3A_48 [0] : vector<1024x64xf32> to vector<64xf32>
    %broadcast_in_dim3A_50 = vector.shape_cast %reduce_sum3A_49 : vector<64xf32> to vector<1x64xf32>
    %add3A_51 = arith.addf %get3A_47, %broadcast_in_dim3A_50 : vector<1x64xf32>
    %swap3A_52 = arith.constant 0 : index
    %swap3A_53 = arith.constant 0 : index
    %swap3A_54 = vector.load %arg7[%swap3A_52, %swap3A_53] : memref<1x64xf32, #tpu.memory_space<vmem>>, vector<1x64xf32>
    tpu.vector_store %arg7[%swap3A_52, %swap3A_53], %add3A_51 {strides = array<i32>} : memref<1x64xf32, #tpu.memory_space<vmem>>, vector<1x64xf32>,
    %mul3A_55 = arith.constant 160 : i32
    %mul3A_56 = vector.broadcast %mul3A_55 : i32 to vector<1024x1xi32>
    %mul3A_57 = arith.muli %broadcast_in_dim3A_20, %mul3A_56 : vector<1024x1xi32>
    %add3A_58 = arith.addi %mul3A_57, %convert_element_type3A_38 : vector<1024x1xi32>
    %lt3A_59 = arith.constant 160 : i32
    %lt3A_60 = vector.broadcast %lt3A_59 : i32 to vector<1024x1xi32>
    %lt3A_61 = arith.cmpi slt, %convert_element_type3A_38, %lt3A_60 : vector<1024x1xi32>
    %jit3A_62 = arith.constant 10240 : i32
    %broadcast_in_dim3A_63 = vector.broadcast %jit3A_62 : i32 to vector<1024x1xi32>
    %select_n3A_64 = arith.select %lt3A_61, %add3A_58, %broadcast_in_dim3A_63 : vector<1024x1xi1>, vector<1024x1xi32>
    %swap3A_65 = arith.constant 0 : index
    %swap3A_66 = arith.constant 0 : index
    %swap3A_67 = vector.load %arg4[%swap3A_65, %swap3A_66] : memref<1024x1xi32, #tpu.memory_space<vmem>>, vector<1024x1xi32>
    tpu.vector_store %arg4[%swap3A_65, %swap3A_66], %select_n3A_64 {strides = array<i32>} : memref<1024x1xi32, #tpu.memory_space<vmem>>, vector<1024x1xi32>,
    %broadcast_in_dim3A_68 = arith.constant 0.000000e+00 : f32
    %broadcast_in_dim3A_69 = vector.broadcast %broadcast_in_dim3A_68 : f32 to vector<1024x127xf32>
    %concatenate3A = tpu.concatenate %broadcast_in_dim3A_15, %broadcast_in_dim3A_69 in 1 : vector<1024x1xf32>, vector<1024x127xf32> -> vector<1024x128xf32>
    %swap3A_70 = arith.constant 0 : index
    %swap3A_71 = arith.constant 0 : index
    %swap3A_72 = vector.load %arg3[%swap3A_70, %swap3A_71] : memref<1024x128xf32, #tpu.memory_space<vmem>>, vector<1024x128xf32>
    tpu.vector_store %arg3[%swap3A_70, %swap3A_71], %concatenate3A {strides = array<i32>} : memref<1024x128xf32, #tpu.memory_space<vmem>>, vector<1024x128xf32>,
    %eq3A_73 = arith.constant 7 : i32
    %eq3A_74 = arith.cmpi eq, %arg0, %eq3A_73 : i32
    %convert_element_type3A_75 = arith.extui %eq3A_74 : i1 to i32
    %cond3A_76 = arith.constant 0 : i32
    %cond3A_77 = arith.cmpi ne, %convert_element_type3A_75, %cond3A_76 : i32
    scf.if %cond3A_77 {
      %get3A_78 = arith.constant 0 : index
      %get3A_79 = arith.constant 0 : index
      %get3A_80 = vector.load %arg7[%get3A_78, %get3A_79] : memref<1x64xf32, #tpu.memory_space<vmem>>, vector<1x64xf32>
      %get3A_81 = arith.constant 0 : index
      %get3A_82 = arith.constant 0 : index
      %get3A_83 = vector.load %arg6[%get3A_81, %get3A_82] : memref<1x64xf32, #tpu.memory_space<vmem>>, vector<1x64xf32>
      %mul3A_84 = arith.mulf %get3A_80, %get3A_83 : vector<1x64xf32>
      %reduce_sum3A_85 = vector.shape_cast %mul3A_84 : vector<1x64xf32> to vector<1x1x64xf32>
      %reduce_sum3A_86 = arith.constant dense<0.000000e+00> : vector<1xf32>
      %reduce_sum3A_87 = vector.multi_reduction <add>, %reduce_sum3A_85, %reduce_sum3A_86 [1, 2] : vector<1x1x64xf32> to vector<1xf32>
      %reduce_sum3A_88 = vector.shape_cast %reduce_sum3A_87 : vector<1xf32> to vector<1x1x1xf32>
      %reduce_sum3A_89 = vector.extract %reduce_sum3A_88[0, 0, 0] : f32 from vector<1x1x1xf32>
      %broadcast_in_dim3A_90 = vector.broadcast %reduce_sum3A_89 : f32 to vector<1x1xf32>
      %mul3A_91 = arith.constant 0.00999999977 : f32
      %mul3A_92 = vector.broadcast %mul3A_91 : f32 to vector<1x1xf32>
      %mul3A_93 = arith.mulf %mul3A_92, %broadcast_in_dim3A_90 : vector<1x1xf32>
      %mul3A_94 = arith.constant 9.53674316E-7 : f32
      %mul3A_95 = vector.broadcast %mul3A_94 : f32 to vector<1x1xf32>
      %mul3A_96 = arith.mulf %mul3A_93, %mul3A_95 : vector<1x1xf32>
      %swap3A_97 = arith.constant 0 : index
      %swap3A_98 = arith.constant 0 : index
      %swap3A_99 = vector.load %arg5[%swap3A_97, %swap3A_98] : memref<1x1xf32, #tpu.memory_space<vmem>>, vector<1x1xf32>
      tpu.vector_store %arg5[%swap3A_97, %swap3A_98], %mul3A_96 {strides = array<i32>} : memref<1x1xf32, #tpu.memory_space<vmem>>, vector<1x1xf32>,
    } else {
    }
    return
  }
  func.func @transform_0(%arg0: i32) -> (i32, i32) {
    %c0_i32 = arith.constant 0 : i32
    %c0_i32_0 = arith.constant 0 : i32
    return %arg0, %c0_i32 : i32, i32
  }
  func.func @transform_1(%arg0: i32) -> (i32, i32) {
    %c0_i32 = arith.constant 0 : i32
    %c0_i32_0 = arith.constant 0 : i32
    %c0_i32_1 = arith.constant 0 : i32
    return %c0_i32, %c0_i32_0 : i32, i32
  }
  func.func @transform_2(%arg0: i32) -> (i32, i32) {
    %c0_i32 = arith.constant 0 : i32
    %c0_i32_0 = arith.constant 0 : i32
    return %arg0, %c0_i32 : i32, i32
  }
  func.func @transform_3(%arg0: i32) -> (i32, i32) {
    %c0_i32 = arith.constant 0 : i32
    %c0_i32_0 = arith.constant 0 : i32
    return %arg0, %c0_i32 : i32, i32
  }
  func.func @transform_4(%arg0: i32) -> (i32, i32) {
    %c0_i32 = arith.constant 0 : i32
    %c0_i32_0 = arith.constant 0 : i32
    %c0_i32_1 = arith.constant 0 : i32
    return %c0_i32, %c0_i32_0 : i32, i32
  }
}

module attributes {stable_mosaic.version = 14 : i64} {
  func.func @_ffn_body(%arg0: i32, %arg1: memref<320x768xf32, #tpu.memory_space<vmem>>, %arg2: memref<320x128xf32, #tpu.memory_space<vmem>>, %arg3: memref<2x768x512xf32, #tpu.memory_space<vmem>>, %arg4: memref<2x768x512xf32, #tpu.memory_space<vmem>>, %arg5: memref<2x512x768xf32, #tpu.memory_space<vmem>>, %arg6: memref<320x768xf32, #tpu.memory_space<vmem>>) attributes {dimension_semantics = [#tpu.dimension_semantics<arbitrary>], iteration_bounds = array<i64: 33>, scalar_prefetch = 0 : i64, scratch_operands = 0 : i64, tpu.core_type = #tpu.core_type<tc>, window_params = [{transform_indices = @transform_0, window_bounds = array<i64: 320, 768>}, {transform_indices = @transform_1, window_bounds = array<i64: 320, 128>}, {transform_indices = @transform_2, window_bounds = array<i64: 2, 768, 512>}, {transform_indices = @transform_3, window_bounds = array<i64: 2, 768, 512>}, {transform_indices = @transform_4, window_bounds = array<i64: 2, 512, 768>}, {transform_indices = @transform_5, window_bounds = array<i64: 320, 768>}]} {
    %lt3A = arith.constant 32 : i32
    %lt3A_0 = arith.cmpi slt, %arg0, %lt3A : i32
    %convert_element_type3A = arith.extui %lt3A_0 : i1 to i32
    %cond3A = arith.constant 0 : i32
    %cond3A_1 = arith.cmpi ne, %convert_element_type3A, %cond3A : i32
    scf.if %cond3A_1 {
      %get3A = arith.constant 0 : index
      %get3A_6 = arith.constant 0 : index
      %get3A_7 = vector.load %arg1[%get3A, %get3A_6] : memref<320x768xf32, #tpu.memory_space<vmem>>, vector<160x768xf32>
      %convert_element_type3A_8 = arith.truncf %get3A_7 : vector<160x768xf32> to vector<160x768xbf16>
      %get3A_9 = arith.constant 0 : index
      %get3A_10 = arith.constant 0 : index
      %get3A_11 = vector.load %arg2[%get3A_9, %get3A_10] : memref<320x128xf32, #tpu.memory_space<vmem>>, vector<160x1xf32>
      %get3A_12 = arith.constant 0 : index
      %get3A_13 = arith.constant 0 : index
      %get3A_14 = arith.constant 0 : index
      %get3A_15 = vector.load %arg3[%get3A_12, %get3A_13, %get3A_14] : memref<2x768x512xf32, #tpu.memory_space<vmem>>, vector<1x768x512xf32>
      %get3A_16 = vector.shape_cast %get3A_15 : vector<1x768x512xf32> to vector<768x512xf32>
      %convert_element_type3A_17 = arith.truncf %get3A_16 : vector<768x512xf32> to vector<768x512xbf16>
      %dot_general3A = arith.constant dense<0.000000e+00> : vector<160x512xf32>
      %dot_general3A_18 = tpu.matmul %convert_element_type3A_8, %convert_element_type3A_17, %dot_general3A {dimension_numbers = #tpu.dot_dimension_numbers<[1], [0], [0], [1], [0, 0, 1, 1], [], []>, transpose_lhs_hint = false} : vector<160x768xbf16>, vector<768x512xbf16>, vector<160x512xf32> -> vector<160x512xf32>
      %get3A_19 = arith.constant 0 : index
      %get3A_20 = arith.constant 0 : index
      %get3A_21 = arith.constant 0 : index
      %get3A_22 = vector.load %arg4[%get3A_19, %get3A_20, %get3A_21] : memref<2x768x512xf32, #tpu.memory_space<vmem>>, vector<1x768x512xf32>
      %get3A_23 = vector.shape_cast %get3A_22 : vector<1x768x512xf32> to vector<768x512xf32>
      %convert_element_type3A_24 = arith.truncf %get3A_23 : vector<768x512xf32> to vector<768x512xbf16>
      %dot_general3A_25 = arith.constant dense<0.000000e+00> : vector<160x512xf32>
      %dot_general3A_26 = tpu.matmul %convert_element_type3A_8, %convert_element_type3A_24, %dot_general3A_25 {dimension_numbers = #tpu.dot_dimension_numbers<[1], [0], [0], [1], [0, 0, 1, 1], [], []>, transpose_lhs_hint = false} : vector<160x768xbf16>, vector<768x512xbf16>, vector<160x512xf32> -> vector<160x512xf32>
      %logistic3A = arith.negf %dot_general3A_18 : vector<160x512xf32>
      %logistic3A_27 = math.exp %logistic3A : vector<160x512xf32>
      %logistic3A_28 = arith.constant 1.000000e+00 : f32
      %logistic3A_29 = vector.broadcast %logistic3A_28 : f32 to vector<160x512xf32>
      %logistic3A_30 = arith.addf %logistic3A_29, %logistic3A_27 : vector<160x512xf32>
      %logistic3A_31 = arith.divf %logistic3A_29, %logistic3A_30 : vector<160x512xf32>
      %mul3A = arith.mulf %dot_general3A_18, %logistic3A_31 : vector<160x512xf32>
      %mul3A_32 = arith.mulf %mul3A, %dot_general3A_26 : vector<160x512xf32>
      %convert_element_type3A_33 = arith.truncf %mul3A_32 : vector<160x512xf32> to vector<160x512xbf16>
      %get3A_34 = arith.constant 0 : index
      %get3A_35 = arith.constant 0 : index
      %get3A_36 = arith.constant 0 : index
      %get3A_37 = vector.load %arg5[%get3A_34, %get3A_35, %get3A_36] : memref<2x512x768xf32, #tpu.memory_space<vmem>>, vector<1x512x768xf32>
      %get3A_38 = vector.shape_cast %get3A_37 : vector<1x512x768xf32> to vector<512x768xf32>
      %convert_element_type3A_39 = arith.truncf %get3A_38 : vector<512x768xf32> to vector<512x768xbf16>
      %dot_general3A_40 = arith.constant dense<0.000000e+00> : vector<160x768xf32>
      %dot_general3A_41 = tpu.matmul %convert_element_type3A_33, %convert_element_type3A_39, %dot_general3A_40 {dimension_numbers = #tpu.dot_dimension_numbers<[1], [0], [0], [1], [0, 0, 1, 1], [], []>, transpose_lhs_hint = false} : vector<160x512xbf16>, vector<512x768xbf16>, vector<160x768xf32> -> vector<160x768xf32>
      %mul3A_42 = vector.broadcast %get3A_11 : vector<160x1xf32> to vector<160x768xf32>
      %mul3A_43 = arith.mulf %dot_general3A_41, %mul3A_42 : vector<160x768xf32>
      %swap3A = arith.constant 0 : index
      %swap3A_44 = arith.constant 0 : index
      %swap3A_45 = vector.load %arg6[%swap3A, %swap3A_44] : memref<320x768xf32, #tpu.memory_space<vmem>>, vector<160x768xf32>
      tpu.vector_store %arg6[%swap3A, %swap3A_44], %mul3A_43 {strides = array<i32>} : memref<320x768xf32, #tpu.memory_space<vmem>>, vector<160x768xf32>,
      %get3A_46 = arith.constant 160 : index
      %get3A_47 = arith.constant 0 : index
      %get3A_48 = vector.load %arg1[%get3A_46, %get3A_47] : memref<320x768xf32, #tpu.memory_space<vmem>>, vector<160x768xf32>
      %convert_element_type3A_49 = arith.truncf %get3A_48 : vector<160x768xf32> to vector<160x768xbf16>
      %get3A_50 = arith.constant 160 : index
      %get3A_51 = arith.constant 0 : index
      %get3A_52 = vector.load %arg2[%get3A_50, %get3A_51] : memref<320x128xf32, #tpu.memory_space<vmem>>, vector<160x1xf32>
      %get3A_53 = arith.constant 1 : index
      %get3A_54 = arith.constant 0 : index
      %get3A_55 = arith.constant 0 : index
      %get3A_56 = vector.load %arg3[%get3A_53, %get3A_54, %get3A_55] : memref<2x768x512xf32, #tpu.memory_space<vmem>>, vector<1x768x512xf32>
      %get3A_57 = vector.shape_cast %get3A_56 : vector<1x768x512xf32> to vector<768x512xf32>
      %convert_element_type3A_58 = arith.truncf %get3A_57 : vector<768x512xf32> to vector<768x512xbf16>
      %dot_general3A_59 = arith.constant dense<0.000000e+00> : vector<160x512xf32>
      %dot_general3A_60 = tpu.matmul %convert_element_type3A_49, %convert_element_type3A_58, %dot_general3A_59 {dimension_numbers = #tpu.dot_dimension_numbers<[1], [0], [0], [1], [0, 0, 1, 1], [], []>, transpose_lhs_hint = false} : vector<160x768xbf16>, vector<768x512xbf16>, vector<160x512xf32> -> vector<160x512xf32>
      %get3A_61 = arith.constant 1 : index
      %get3A_62 = arith.constant 0 : index
      %get3A_63 = arith.constant 0 : index
      %get3A_64 = vector.load %arg4[%get3A_61, %get3A_62, %get3A_63] : memref<2x768x512xf32, #tpu.memory_space<vmem>>, vector<1x768x512xf32>
      %get3A_65 = vector.shape_cast %get3A_64 : vector<1x768x512xf32> to vector<768x512xf32>
      %convert_element_type3A_66 = arith.truncf %get3A_65 : vector<768x512xf32> to vector<768x512xbf16>
      %dot_general3A_67 = arith.constant dense<0.000000e+00> : vector<160x512xf32>
      %dot_general3A_68 = tpu.matmul %convert_element_type3A_49, %convert_element_type3A_66, %dot_general3A_67 {dimension_numbers = #tpu.dot_dimension_numbers<[1], [0], [0], [1], [0, 0, 1, 1], [], []>, transpose_lhs_hint = false} : vector<160x768xbf16>, vector<768x512xbf16>, vector<160x512xf32> -> vector<160x512xf32>
      %logistic3A_69 = arith.negf %dot_general3A_60 : vector<160x512xf32>
      %logistic3A_70 = math.exp %logistic3A_69 : vector<160x512xf32>
      %logistic3A_71 = arith.constant 1.000000e+00 : f32
      %logistic3A_72 = vector.broadcast %logistic3A_71 : f32 to vector<160x512xf32>
      %logistic3A_73 = arith.addf %logistic3A_72, %logistic3A_70 : vector<160x512xf32>
      %logistic3A_74 = arith.divf %logistic3A_72, %logistic3A_73 : vector<160x512xf32>
      %mul3A_75 = arith.mulf %dot_general3A_60, %logistic3A_74 : vector<160x512xf32>
      %mul3A_76 = arith.mulf %mul3A_75, %dot_general3A_68 : vector<160x512xf32>
      %convert_element_type3A_77 = arith.truncf %mul3A_76 : vector<160x512xf32> to vector<160x512xbf16>
      %get3A_78 = arith.constant 1 : index
      %get3A_79 = arith.constant 0 : index
      %get3A_80 = arith.constant 0 : index
      %get3A_81 = vector.load %arg5[%get3A_78, %get3A_79, %get3A_80] : memref<2x512x768xf32, #tpu.memory_space<vmem>>, vector<1x512x768xf32>
      %get3A_82 = vector.shape_cast %get3A_81 : vector<1x512x768xf32> to vector<512x768xf32>
      %convert_element_type3A_83 = arith.truncf %get3A_82 : vector<512x768xf32> to vector<512x768xbf16>
      %dot_general3A_84 = arith.constant dense<0.000000e+00> : vector<160x768xf32>
      %dot_general3A_85 = tpu.matmul %convert_element_type3A_77, %convert_element_type3A_83, %dot_general3A_84 {dimension_numbers = #tpu.dot_dimension_numbers<[1], [0], [0], [1], [0, 0, 1, 1], [], []>, transpose_lhs_hint = false} : vector<160x512xbf16>, vector<512x768xbf16>, vector<160x768xf32> -> vector<160x768xf32>
      %mul3A_86 = vector.broadcast %get3A_52 : vector<160x1xf32> to vector<160x768xf32>
      %mul3A_87 = arith.mulf %dot_general3A_85, %mul3A_86 : vector<160x768xf32>
      %swap3A_88 = arith.constant 160 : index
      %swap3A_89 = arith.constant 0 : index
      %swap3A_90 = vector.load %arg6[%swap3A_88, %swap3A_89] : memref<320x768xf32, #tpu.memory_space<vmem>>, vector<160x768xf32>
      tpu.vector_store %arg6[%swap3A_88, %swap3A_89], %mul3A_87 {strides = array<i32>} : memref<320x768xf32, #tpu.memory_space<vmem>>, vector<160x768xf32>,
    } else {
    }
    %eq3A = arith.constant 32 : i32
    %eq3A_2 = arith.cmpi eq, %arg0, %eq3A : i32
    %convert_element_type3A_3 = arith.extui %eq3A_2 : i1 to i32
    %cond3A_4 = arith.constant 0 : i32
    %cond3A_5 = arith.cmpi ne, %convert_element_type3A_3, %cond3A_4 : i32
    scf.if %cond3A_5 {
      %broadcast_in_dim3A = arith.constant 0.000000e+00 : f32
      %broadcast_in_dim3A_6 = vector.broadcast %broadcast_in_dim3A : f32 to vector<320x768xf32>
      %swap3A = arith.constant 0 : index
      %swap3A_7 = arith.constant 0 : index
      %swap3A_8 = vector.load %arg6[%swap3A, %swap3A_7] : memref<320x768xf32, #tpu.memory_space<vmem>>, vector<320x768xf32>
      tpu.vector_store %arg6[%swap3A, %swap3A_7], %broadcast_in_dim3A_6 {strides = array<i32>} : memref<320x768xf32, #tpu.memory_space<vmem>>, vector<320x768xf32>,
    } else {
    }
    return
  }
  func.func @transform_0(%arg0: i32) -> (i32, i32) {
    %c0_i32 = arith.constant 0 : i32
    %c0_i32_0 = arith.constant 0 : i32
    return %arg0, %c0_i32 : i32, i32
  }
  func.func @transform_1(%arg0: i32) -> (i32, i32) {
    %c0_i32 = arith.constant 0 : i32
    %c0_i32_0 = arith.constant 0 : i32
    return %arg0, %c0_i32 : i32, i32
  }
  func.func @transform_2(%arg0: i32) -> (i32, i32, i32) {
    %min3A = arith.constant 31 : i32
    %min3A_0 = arith.minsi %arg0, %min3A : i32
    %c0_i32 = arith.constant 0 : i32
    %c0_i32_1 = arith.constant 0 : i32
    %c0_i32_2 = arith.constant 0 : i32
    return %min3A_0, %c0_i32, %c0_i32_1 : i32, i32, i32
  }
  func.func @transform_3(%arg0: i32) -> (i32, i32, i32) {
    %min3A = arith.constant 31 : i32
    %min3A_0 = arith.minsi %arg0, %min3A : i32
    %c0_i32 = arith.constant 0 : i32
    %c0_i32_1 = arith.constant 0 : i32
    %c0_i32_2 = arith.constant 0 : i32
    return %min3A_0, %c0_i32, %c0_i32_1 : i32, i32, i32
  }
  func.func @transform_4(%arg0: i32) -> (i32, i32, i32) {
    %min3A = arith.constant 31 : i32
    %min3A_0 = arith.minsi %arg0, %min3A : i32
    %c0_i32 = arith.constant 0 : i32
    %c0_i32_1 = arith.constant 0 : i32
    %c0_i32_2 = arith.constant 0 : i32
    return %min3A_0, %c0_i32, %c0_i32_1 : i32, i32, i32
  }
  func.func @transform_5(%arg0: i32) -> (i32, i32) {
    %c0_i32 = arith.constant 0 : i32
    %c0_i32_0 = arith.constant 0 : i32
    return %arg0, %c0_i32 : i32, i32
  }
}

</mosaic_0001>

<sc_bundles>
// kernel: kernel.6.cloned.1.call-start
scs
__scs_entry_jumppad:
0x0: {  	(pc) =	sbr.rel $0x88, $3  }
0x1: {  	(tag) =	ssettag $0x0;
	lr =	simm.s32 $0x1  }
0x2: {  	[smem:$0x3F9C] =	sst lr;
	_ =	strace $0xD0000000  }
0x3: {  	_ = 	snop  }
0x4: {  	_ = 	snop  }
0x5: {  	_ = 	snop  }
0x6: {  	_ = 	snop  }
0x7: {  	_ = 	snop  }
__scs_overlays_trampoline_lowered:
0x8: {  	[smem:$0x3FAB] =	sst s0  }
0x9: {  	[smem:$0x3FAC] =	sst s1  }
0xa: {  	[smem:$0x3FAD] =	sst s2  }
0xb: {  	[smem:$0x3FAE] =	sst s3  }
0xc: {  	[smem:$0x3FAF] =	sst s4  }
0xd: {  	[smem:$0x3FB0] =	sst s5  }
0xe: {  	[smem:$0x3FB1] =	sst s6  }
0xf: {  	[smem:$0x3FB2] =	sst s7  }
0x10: {  	[smem:$0x3FB3] =	sst s8  }
0x11: {  	[smem:$0x3FB4] =	sst s9;
	s0 =	simm.s32 @!p0 $0x0  }
0x12: {  	s1 =	sld [smem:$0x3F9A];
	s0 =	simm.s32 @p0 $0x1  }
0x13: {  	[smem:$0x3FB5] =	sst s0;
	s0 =	simm.s32 @!p1 $0x0  }
0x14: {  	s2 =	sld [smem:$0x3F99];
	s0 =	simm.s32 @p1 $0x1  }
0x15: {  	[smem:$0x3FB6] =	sst s0;
	s0 =	simm.s32 @!p2 $0x0  }
0x16: {  	s3 =	sld [smem:$0x3FDB];
	s0 =	simm.s32 @p2 $0x1  }
0x17: {  	s4 =	simm.s32 $0x1BF5;
	[smem:$0x3FB8] =	sst s0  }
0x18: {  	s0 =	sld [smem:$0x3F9B];
	_ =	swait.ge [sflag:s4], $0x0  }
0x19: {  	s7 =	sld [smem:$0x3F9C]  }
0x1a: {  	s8 =	sadd.s32 $0xFFFFE003, lr  }
0x1b: {  	s9 =	sadd.s32 $0xFFFFFEF7, lr;
	s5 =	simm.s32 $0xFFFFFFFF;
	p2 =	slt.u32 s8, $0xFFFFF086  }
0x1c: {  	p1 =	slt.u32 s9, $0xF7A;
	s5 =	simm.s32 @!p2 $0x0  }
0x1d: {  	s5 =	simm.s32 @p1 $0x1;
	p0 =	seq.s32 s7, s2  }
0x1e: {  	s7 =	smul.u32 @!p0 $0xF7A, s2;
	p2 =	seq.s32 @!p0 s5, $0x0  }
0x1f: {  	s9 =	smul.u32 $0xF7A, s1;
	s8 =	simm.s32 @!p0 $0x1BF5;
	p2 =	por !p2, p0  }
0x20: {  	[sflag:s8] =	ssyncset.s32 @!p0 $0xFFFFF086;
	s6 =	sadd.s32 @!p0 s3, s7;
	s7 =	simm.s32 @!p0 $0x108  }
0x21: {  	s3 =	sadd.s32 s3, s9;
	s6 =	sadd.s32 @!p0 $0x88, s6;
	s7 =	simm.s32 @p2 $0x1082  }
0x22: {  	[simem:s7], [sflag:s8] =	dma.local @!p0 [hbm:s6], $0xF7A  }
0x23: {  	s9 =	sor.u32 $0xD0000000, s2;
	s6 =	simm.s32 $0x108;
	_ =	swait.ge @!p0 [sflag:s8], $0x0  }
0x24: {  	s3 =	sadd.s32 $0x88, s3;
	s6 =	simm.s32 @!p1 $0x1082;
	[sflag:s4] =	ssyncset.s32 $0xFFFFF086  }
0x25: {  	[simem:s6], [sflag:s4] =	dma.local [hbm:s3], $0xF7A  }
0x26: {  	[smem:$0x3F9C] =	sst s1;
	(tag) =	ssettag s2;
	_ =	strace s9  }
0x27: {  	s1 =	sld [smem:$0x3FAC]  }
0x28: {  	s2 =	sld [smem:$0x3FAD]  }
0x29: {  	s4 =	sld [smem:$0x3FAF]  }
0x2a: {  	p0 =	seq.s32 s5, $0x0;
	s5 =	sld [smem:$0x3FB0]  }
0x2b: {  	s6 =	sld [smem:$0x3FB1]  }
0x2c: {  	s7 =	sld [smem:$0x3FB2]  }
0x2d: {  	s3 =	simm.s32 $0x108;
	s8 =	sld [smem:$0x3FB3]  }
0x2e: {  	s3 =	simm.s32 @!p0 $0x1082;
	s9 =	sld [smem:$0x3FB4]  }
0x2f: {  	lr =	sadd.s32 s0, s3;
	s0 =	sld [smem:$0x3FAB]  }
0x30: {  	s3 =	sld [smem:$0x3FAE]  }
0x31: {  	[smem:$0x3FB7] =	sst s10  }
0x32: {  	s10 =	sld [smem:$0x3FB5];
	_ =	sdelay $0x3  }
0x33: {  	p0 =	seq.s32 s10, $0x1;
	s10 =	sld [smem:$0x3FB7];
	_ =	sdelay $0x3  }
0x34: {  	[smem:$0x3FB7] =	sst s10  }
0x35: {  	s10 =	sld [smem:$0x3FB6];
	_ =	sdelay $0x3  }
0x36: {  	p1 =	seq.s32 s10, $0x1;
	s10 =	sld [smem:$0x3FB7];
	_ =	sdelay $0x3  }
0x37: {  	[smem:$0x3FB7] =	sst s10  }
0x38: {  	s10 =	sld [smem:$0x3FB8]  }
0x39: {  	_ = 	snop;
	(pc) =	sbr.ind lr, $3  }
0x3a: {  	_ = 	snop  }
0x3b: {  	_ = 	snop  }
0x3c: {  	p2 =	seq.s32 s10, $0x1;
	s10 =	sld [smem:$0x3FB7]  }
0x3d: {  	_ =	shalt  }
0x3e: {  	_ =	shalt  }
0x3f: {  	_ =	shalt  }
0x40: {  	_ =	shalt  }
0x41: {  	_ =	shalt  }
0x42: {  	_ =	shalt  }
0x43: {  	_ =	shalt  }
0x44: {  	_ =	shalt  }
0x45: {  	_ =	shalt  }
0x46: {  	_ =	shalt  }
0x47: {  	_ =	shalt  }
0x48: {  	_ =	shalt  }
0x49: {  	_ =	shalt  }
0x4a: {  	_ =	shalt  }
0x4b: {  	_ =	shalt  }
0x4c: {  	_ =	shalt  }
0x4d: {  	_ =	shalt  }
0x4e: {  	_ =	shalt  }
0x4f: {  	_ =	shalt  }
0x50: {  	_ =	shalt  }
0x51: {  	_ =	shalt  }
0x52: {  	_ =	shalt  }
0x53: {  	_ =	shalt  }
0x54: {  	_ =	shalt  }
0x55: {  	_ =	shalt  }
0x56: {  	_ =	shalt  }
0x57: {  	_ =	shalt  }
0x58: {  	_ =	shalt  }
0x59: {  	_ =	shalt  }
0x5a: {  	_ =	shalt  }
0x5b: {  	_ =	shalt  }
0x5c: {  	_ =	shalt  }
0x5d: {  	_ =	shalt  }
0x5e: {  	_ =	shalt  }
0x5f: {  	_ =	shalt  }
0x60: {  	_ =	shalt  }
0x61: {  	_ =	shalt  }
0x62: {  	_ =	shalt  }
0x63: {  	_ =	shalt  }
0x64: {  	_ =	shalt  }
0x65: {  	_ =	shalt  }
0x66: {  	_ =	shalt  }
0x67: {  	_ =	shalt  }
0x68: {  	_ =	shalt  }
0x69: {  	_ =	shalt  }
0x6a: {  	_ =	shalt  }
0x6b: {  	_ =	shalt  }
0x6c: {  	_ =	shalt  }
0x6d: {  	_ =	shalt  }
0x6e: {  	_ =	shalt  }
0x6f: {  	_ =	shalt  }
0x70: {  	_ =	shalt  }
0x71: {  	_ =	shalt  }
0x72: {  	_ =	shalt  }
0x73: {  	_ =	shalt  }
0x74: {  	_ =	shalt  }
0x75: {  	_ =	shalt  }
0x76: {  	_ =	shalt  }
0x77: {  	_ =	shalt  }
0x78: {  	_ =	shalt  }
0x79: {  	_ =	shalt  }
0x7a: {  	_ =	shalt  }
0x7b: {  	_ =	shalt  }
0x7c: {  	_ =	shalt  }
0x7d: {  	_ =	shalt  }
0x7e: {  	_ =	shalt  }
0x7f: {  	_ =	shalt  }
0x80: {  	_ =	shalt  }
0x81: {  	_ =	shalt  }
0x82: {  	_ =	shalt  }
0x83: {  	_ =	shalt  }
0x84: {  	_ =	shalt  }
0x85: {  	_ =	shalt  }
0x86: {  	_ =	shalt  }
0x87: {  	_ =	shalt  }
.Lfunc_end0:
.L_simem_size_0:
called_computation_lowered:
.L_overlay_start_0:
0x88: {  	s2 =	sld [smem:$0x3FD9]  }
0x89: {  	s3 =	sld [smem:$0x3FFE];
	_ =	sdelay $0x1  }
0x8a: {  	s1 =	srdreg.scid  }
0x8b: {  	s0 =	sand.u32 $0x1, s1  }
0x8c: {  	s14 =	sshll.u32 s0, $0xA;
	s2 =	sadd.s32 s3, s2  }
0x8d: {  	s2 =	sadd.s32 s2, s14  }
0x8e: {  	[smem:$0x3FC3] =	sst s2  }
0x8f: {  	_ = 	snop  }
0x90: {  	s2 =	sld [smem:$0x3FD0];
	_ =	sdelay $0x2  }
0x91: {  	s4 =	simm.s32 $0xA;
	s5 =	simm.s32 $0x10;
	s15 =	sld [smem:$0x3FC9]  }
0x92: {  	[smem:s5], [sflag:s4] =	dma.local [hbm:s2], $0x1  }
0x93: {  	_ =	swait.eq [sflag:s4], $0x1  }
0x94: {  	[sflag:s4] =	ssyncset.done $0x0  }
0x95: {  	[sflag:s4] =	ssyncadd.s32 $0xFFFFFFFF  }
0x96: {  	s16 =	sld [smem:$0x10];
	(tm) =	ssettm $0x1  }
0x97: {  	s17 =	sld [smem:$0x3FFB];
	_ =	sdelay $0x3  }
0x98: {  	_ =	strace s17  }
0x99: {  	s4 =	sld [smem:$0x3FFC];
	_ =	sdelay $0x3  }
0x9a: {  	_ =	strace s4  }
0x9b: {  	s4 =	sld [smem:$0x3FFD];
	_ =	sdelay $0x3  }
0x9c: {  	_ =	strace s4  }
0x9d: {  	_ =	strace $0x8FFFFFFF  }
0x9e: {  	s18 =	sld [smem:$0x3FDB];
	_ =	sdelay $0x1  }
0x9f: {  	s19 =	simm.s32 $_scs_section_size  }
0xa0: {  	s6 =	simm.s32 $_size__tile_overlayer_lowered;
	s7 =	simm.s32 $_tile_overlayer_lowered  }
0xa1: {  	s22 =	simm.s32 $0x1BFF;
	s21 =	sshll.u32 s7, $0x1;
	s4 =	sadd.s32 s19, s18  }
0xa2: {  	s8 =	simm.s32 $0x0;
	s20 =	sshll.u32 s6, $0x1;
	s6 =	sadd.s32 s21, s4  }
0xa3: {  	[timem:s8], [sflag:s22] =	dma.local [hbm:s6], s20  }
0xa4: {  	_ =	swait.ge [sflag:s22], s20  }
0xa5: {  	s5 =	ssub.s32 $0x0, s20;
	[sflag:s22] =	ssyncset.done $0x0  }
0xa6: {  	[sflag:s22] =	ssyncadd.s32 s5;
	_ =	sdelay $0x1  }
0xa7: {  	s23 =	simm.s32 $0x1B8B  }
0xa8: {  	_ =	swait.ge [sflag:s23], $0x1  }
0xa9: {  	[sflag:s23] =	ssyncset.done $0x0  }
0xaa: {  	s25 =	simm.s32 $0x1B8E;
	s24 =	sld [smem:$0x3FFE];
	[sflag:s23] =	ssyncadd.s32 $0xFFFFFFFF  }
0xab: {  	s26 =	simm.s32 $execute0_lowered;
	[smem:$0x3FD2] =	sst s25  }
0xac: {  	s6 =	sshll.u32 s26, $0x1;
	_ =	strace $0x80000046;
	[dreg:$0x1] =	wrdreg $0xFFFFFFFF  }
0xad: {  	s28 =	simm.s32 $_size_execute0_lowered;
	s4 =	sadd.s32 s4, s6;
	[dreg:$0x0] =	wrdreg $0x0  }
0xae: {  	s6 =	sshll.u32 s28, $0x1;
	[dreg:$0x2] =	wrdreg s4  }
0xaf: {  	[dreg:$0x3] =	wrdreg s6  }
0xb0: {  	[dreg:$0x4] =	wrdreg $0xC0  }
0xb1: {  	_ =	task [dreg:s8], $0x5FFFF  }
0xb2: {  	[dreg:$0x1] =	wrdreg $0xFFFFFFFF  }
0xb3: {  	[dreg:$0x0] =	wrdreg $0x60  }
0xb4: {  	[dreg:$0x2] =	wrdreg s15  }
0xb5: {  	[dreg:$0x3] =	wrdreg s24  }
0xb6: {  	[dreg:$0x4] =	wrdreg s16  }
0xb7: {  	[dreg:$0x5] =	wrdreg $0x9  }
0xb8: {  	_ =	task.clear_ibuf [dreg:s8], $0x6FFFF;
	_ =	strace $0x90000046  }
0xb9: {  	s29 =	simm.s32 $0x9;
	_ =	strace $0x80000048  }
0xba: {  	_ =	swait.ge [sflag:s29], $0x1  }
0xbb: {  	[sflag:s29] =	ssyncadd.s32 $0xFFFFFFFF  }
0xbc: {  	_ =	strace $0x90000048  }
0xbd: {  	_ =	sfence  }
0xbe: {  	s30 =	sld [smem:$0x0];
	_ =	sdelay $0x2  }
0xbf: {  	s31 =	sshll.u32 s1, $0xD;
	s1 =	sshrl.u32 s1, $0x2  }
0xc0: {  	s3 =	sand.u32 $0x4000, s31;
	s1 =	sadd.s32 s1, s30  }
0xc1: {  	s0 =	sor.u32 s3, s0;
	s1 =	sshll.u32 s1, $0x11  }
0xc2: {  	s0 =	sor.u32 s1, s0  }
0xc3: {  	s0 =	sadd.s32 $0x8F2B, s0  }
0xc4: {  	[sflag:s0] =	ssyncadd.remote.s32 $0x1  }
0xc5: {  	_ =	sfence.sel $0xFFFF  }
0xc6: {  	[dreg:$0x0] =	wrdreg $0xFFFFFFFF;
	(pc) =	sbr.abs _section_cstart, $3  }
0xc7: {  	[dreg:$0x1] =	wrdreg $0xFFFFFFFF  }
0xc8: {  	_ =	task.clear_ibuf [dreg:s8], $0x2FFFF;
	_ =	strace $0x9FFFFFFF  }
0xc9: {  	(tm) =	ssettm $0x7FFFFFFF  }
tec
execute0_lowered:
.L_overlay_start_1:
0x0: {  	(tag) =	ssettag $0x1  }
0x1: {  	s0 =	rddreg [dreg:$0x0]  }
0x2: {  	s1 =	srdreg.scid;
	s2 =	stileid.u32  }
0x3: {  	s6 =	rddreg [dreg:$0x1];
	s26 =	simm.s32 $0x80;
	s30 =	simm.s32 $0x100  }
0x4: {  	s31 =	simm.s32 $0x180;
	s29 =	simm.s32 $0x4;
	s12 =	simm.s32 $0x18200  }
0x5: {  	s13 =	simm.s32 $0xC200;
	s14 =	simm.s32 $0xE200;
	s28 =	simm.s32 $0x13A00  }
0x6: {  	s1 =	sand.u32 $0x1, s1;
	s3 =	sshll.u32 s2, $0x1;
	s8 =	sadd.s32 $0xE00, s6  }
0x7: {  	s2 =	simm.s32 $0xD200;
	s4 =	sor.u32 s1, s3;
	s3 =	simm.s32 $0x0  }
0x8: {  	s1 =	ssub.s32 $0x2, s1;
	s5 =	sshll.u32 s4, $0x6;
	[smem:$0x7FF] =	sst s3  }
0x9: {  	s7 =	smul.u32 $0x6000, s4;
	s15 =	sshll.u32 s4, $0x5;
	s4 =	sshll.u32 s4, $0xC  }
0xa: {  	s11 =	sshrl.u32 s1, $0x1;
	s5 =	sadd.s32 s5, s6;
	_ =	strace $0x80000047  }
0xb: {  	s9 =	sor.u32 $0x8, s15;
	s16 =	sadd.s32 s8, s4;
	[dreg:$0xd] =	wrdreg s26  }
0xc: {  	s4 =	sadd.s32 $0x21600, s6;
	s18 =	sor.u32 $0x10, s15;
	[dreg:$0xe] =	wrdreg s30  }
0xd: {  	s1 =	ssub.s32 s1, s11;
	s11 =	simm.s32 $0x1;
	[dreg:$0xf] =	wrdreg s31  }
0xe: {  	s26 =	simm.s32 $0x13200;
	s5 =	sadd.s32 $0x20E00, s5;
	s7 =	sadd.s32 s0, s7  }
0xf: {  	s10 =	smul.u32 $0x300, s9;
	[dreg:$0x6] =	wrdreg s16;
	s9 =	sshll.u32 s9, $0x7  }
0x10: {  	s20 =	smul.u32 $0x300, s18;
	s22 =	sshll.u32 s18, $0x7;
	[dreg:$0x4] =	wrdreg s5  }
0x11: {  	s16 =	simm.s32 $0xF200;
	s18 =	simm.s32 $0x10200;
	[dreg:$0x5] =	wrdreg s7  }
0x12: {  	s19 =	sadd.s32 s8, s9;
	s5 =	sor.u32 $0x18, s15;
	s24 =	sadd.s32 s8, s22  }
0x13: {  	s7 =	smax.u32 s1, $0x1;
	s1 =	simm.s32 $0x40;
	s15 =	simm.s32 $0xEA00  }
0x14: {  	s22 =	simm.s32 $0x11200;
	s17 =	sadd.s32 s0, s10;
	[dreg:$0x8] =	wrdreg s19  }
0x15: {  	s21 =	sadd.s32 s0, s20;
	s23 =	smul.u32 $0x300, s5;
	[dreg:$0xa] =	wrdreg s24  }
0x16: {  	s5 =	sshll.u32 s5, $0x7;
	s19 =	simm.s32 $0x2;
	s20 =	simm.s32 $0x3  }
0x17: {  	s10 =	simm.s32 $0x200;
	s24 =	simm.s32 $0x12200;
	[dreg:$0x7] =	wrdreg s17  }
0x18: {  	[dreg:$0x9] =	wrdreg s21;
	s25 =	sadd.s32 s8, s5;
	s5 =	sadd.s32 $0x21700, s6  }
0x19: {  	v2 =	vlaneseq.u32;
	s6 =	sadd.s32 $0x21800, s6;
	s8 =	simm.s32 $0xDA00;
	s17 =	simm.s32 $0xFA00  }
0x1a: {  	vm0 =	vmmov $0xffff;
	v1 =	vshrl.u32 v2, $0x3;
	s21 =	simm.s32 $0x10A00;
	s0 =	sadd.s32 s0, s23;
	[dreg:$0xc] =	wrdreg s25  }
0x1b: {  	v0 =	vand.u32 $0x7, v2;
	v2 =	vor.u32 $0x8, v2;
	v1 =	vmul.u32 $0x8, v1;
	s23 =	simm.s32 $0x11A00;
	s25 =	simm.s32 $0x12A00;
	[dreg:$0xb] =	wrdreg s0  }
.LBB2_1:
0x1c: {  	s30 =	rddreg [dreg:$0x4];
	s0 =	simm.s32 $0x5  }
0x1d: {  	[tilespmem:s3], [sflag:$0x5] =	stream.linear.gather [hbm4b:s30+s3], $0x200, $0x38;
	[tilespmem:$0x1C200] =	vst v63  }
0x1e: {  	_ =	swait.ge [sflag:s0], $0x200  }
0x1f: {  	[sflag:s0] =	ssyncset.done $0x0  }
0x20: {  	s9 =	rddreg [dreg:$0x5];
	[sflag:s0] =	ssyncadd.s32 $0xFFFFFE00  }
0x21: {  	[tilespmem:s10], [sflag:$0x1] =	stream.linear.gather [hbm4b:s9+s3], $0xC000, $0x38;
	[tilespmem:$0x1C200] =	vst v63  }
0x22: {  	s31 =	rddreg [dreg:$0x6]  }
0x23: {  	[tilespmem:s12], [sflag:$0x1] =	stream.linear.gather [hbm4b:s31+s3], $0x2000, $0x38;
	[tilespmem:$0x1C200] =	vst v63  }
0x24: {  	_ =	swait.ge [sflag:s11], $0xC000  }
0x25: {  	[sflag:s11] =	ssyncset.done $0x0  }
0x26: {  	[sflag:s11] =	ssyncadd.s32 $0xFFFF4000  }
0x27: {  	_ =	swait.ge [sflag:s11], $0x2000  }
0x28: {  	[sflag:s11] =	ssyncset.done $0x0  }
0x29: {  	s9 =	rddreg [dreg:$0x7];
	[sflag:s11] =	ssyncadd.s32 $0xFFFFE000  }
0x2a: {  	[tilespmem:s13], [sflag:$0x2] =	stream.linear.gather [hbm4b:s9+s3], $0xC000, $0x38;
	[tilespmem:$0x1C200] =	vst v63  }
0x2b: {  	s0 =	rddreg [dreg:$0x8];
	s9 =	simm.s32 $0x1A200  }
0x2c: {  	[tilespmem:s9], [sflag:$0x2] =	stream.linear.gather [hbm4b:s0+s3], $0x2000, $0x38;
	[tilespmem:$0x1C200] =	vst v63  }
0x2d: {  	v3 =	vld [tilespmem:$0x0];
	_ =	sdelay $0x4  }
0x2e: {  	v4 =	vshrl.u32 v3, $0x3  }
0x2f: {  	v4 =	vmul.u32 $0x30, v4  }
0x30: {  	v3 =	vand.u32 $0x7, v3  }
0x31: {  	v3 =	vor.u32 v3, v4  }
0x32: {  	v4 =	vperm.xlane v3, v0;
	_ =	sdelay $0x1  }
0x33: {  	v4 =	vadd.s32 v1, v4;
	_ =	sdelay $0x3  }
0x34: {  	v3 =	vperm.xlane v3, v2  }
0x35: {  	[hbm4b:s4+s3] =	stream.indirect_vreg.scatter [tilespmem:s10], [sflag:$0x3], $0x80, v4, vm0, $0xb8;
	[tilespmem:$0x1C200] =	vst v63  }
0x36: {  	s30 =	simm.s32 $0xA00;
	v3 =	vadd.s32 v1, v3  }
0x37: {  	[hbm4b:s5+s3] =	stream.indirect_vreg.scatter [tilespmem:s30], [sflag:$0x3], $0x80, v4, vm0, $0xb8;
	[tilespmem:$0x1C200] =	vst v63  }
0x38: {  	s31 =	simm.s32 $0x1200  }
0x39: {  	[hbm4b:s6+s3] =	stream.indirect_vreg.scatter [tilespmem:s31], [sflag:$0x3], $0x80, v4, vm0, $0xb8;
	[tilespmem:$0x1C200] =	vst v63  }
0x3a: {  	s9 =	simm.s32 $0x1A00  }
0x3b: {  	[hbm4b:s4+s3] =	stream.indirect_vreg.scatter [tilespmem:s9], [sflag:$0x3], $0x80, v3, vm0, $0xb8;
	[tilespmem:$0x1C200] =	vst v63  }
0x3c: {  	s30 =	simm.s32 $0x2200  }
0x3d: {  	[hbm4b:s5+s3] =	stream.indirect_vreg.scatter [tilespmem:s30], [sflag:$0x3], $0x80, v3, vm0, $0xb8;
	[tilespmem:$0x1C200] =	vst v63  }
0x3e: {  	s31 =	simm.s32 $0x2A00  }
0x3f: {  	[hbm4b:s6+s3] =	stream.indirect_vreg.scatter [tilespmem:s31], [sflag:$0x3], $0x80, v3, vm0, $0xb8;
	[tilespmem:$0x1C200] =	vst v63  }
0x40: {  	v3 =	vld [tilespmem:$0x10];
	_ =	sdelay $0x4  }
0x41: {  	v49 =	vshrl.u32 v3, $0x3  }
0x42: {  	v4 =	vmul.u32 $0x30, v49  }
0x43: {  	v3 =	vand.u32 $0x7, v3  }
0x44: {  	v3 =	vor.u32 v3, v4  }
0x45: {  	v4 =	vperm.xlane v3, v0;
	_ =	sdelay $0x1  }
0x46: {  	v4 =	vadd.s32 v1, v4;
	_ =	sdelay $0x3  }
0x47: {  	s9 =	simm.s32 $0x3200;
	v3 =	vperm.xlane v3, v2  }
0x48: {  	[hbm4b:s4+s3] =	stream.indirect_vreg.scatter [tilespmem:s9], [sflag:$0x3], $0x80, v4, vm0, $0xb8;
	[tilespmem:$0x1C200] =	vst v63  }
0x49: {  	s30 =	simm.s32 $0x3A00;
	v3 =	vadd.s32 v1, v3  }
0x4a: {  	[hbm4b:s5+s3] =	stream.indirect_vreg.scatter [tilespmem:s30], [sflag:$0x3], $0x80, v4, vm0, $0xb8;
	[tilespmem:$0x1C200] =	vst v63  }
0x4b: {  	s31 =	simm.s32 $0x4200  }
0x4c: {  	[hbm4b:s6+s3] =	stream.indirect_vreg.scatter [tilespmem:s31], [sflag:$0x3], $0x80, v4, vm0, $0xb8;
	[tilespmem:$0x1C200] =	vst v63  }
0x4d: {  	s9 =	simm.s32 $0x4A00  }
0x4e: {  	[hbm4b:s4+s3] =	stream.indirect_vreg.scatter [tilespmem:s9], [sflag:$0x3], $0x80, v3, vm0, $0xb8;
	[tilespmem:$0x1C200] =	vst v63  }
0x4f: {  	s30 =	simm.s32 $0x5200  }
0x50: {  	[hbm4b:s5+s3] =	stream.indirect_vreg.scatter [tilespmem:s30], [sflag:$0x3], $0x80, v3, vm0, $0xb8;
	[tilespmem:$0x1C200] =	vst v63  }
0x51: {  	s31 =	simm.s32 $0x5A00  }
0x52: {  	[hbm4b:s6+s3] =	stream.indirect_vreg.scatter [tilespmem:s31], [sflag:$0x3], $0x80, v3, vm0, $0xb8;
	[tilespmem:$0x1C200] =	vst v63  }
0x53: {  	v3 =	vld [tilespmem:$0x20];
	_ =	sdelay $0x4  }
0x54: {  	v50 =	vshrl.u32 v3, $0x3  }
0x55: {  	v4 =	vmul.u32 $0x30, v50  }
0x56: {  	v3 =	vand.u32 $0x7, v3  }
0x57: {  	v3 =	vor.u32 v3, v4  }
0x58: {  	v4 =	vperm.xlane v3, v0;
	_ =	sdelay $0x1  }
0x59: {  	v4 =	vadd.s32 v1, v4;
	_ =	sdelay $0x3  }
0x5a: {  	s9 =	simm.s32 $0x6200;
	v3 =	vperm.xlane v3, v2  }
0x5b: {  	[hbm4b:s4+s3] =	stream.indirect_vreg.scatter [tilespmem:s9], [sflag:$0x3], $0x80, v4, vm0, $0xb8;
	[tilespmem:$0x1C200] =	vst v63  }
0x5c: {  	s30 =	simm.s32 $0x6A00;
	v3 =	vadd.s32 v1, v3  }
0x5d: {  	[hbm4b:s5+s3] =	stream.indirect_vreg.scatter [tilespmem:s30], [sflag:$0x3], $0x80, v4, vm0, $0xb8;
	[tilespmem:$0x1C200] =	vst v63  }
0x5e: {  	s31 =	simm.s32 $0x7200  }
0x5f: {  	[hbm4b:s6+s3] =	stream.indirect_vreg.scatter [tilespmem:s31], [sflag:$0x3], $0x80, v4, vm0, $0xb8;
	[tilespmem:$0x1C200] =	vst v63  }
0x60: {  	s9 =	simm.s32 $0x7A00  }
0x61: {  	[hbm4b:s4+s3] =	stream.indirect_vreg.scatter [tilespmem:s9], [sflag:$0x3], $0x80, v3, vm0, $0xb8;
	[tilespmem:$0x1C200] =	vst v63  }
0x62: {  	s30 =	simm.s32 $0x8200  }
0x63: {  	[hbm4b:s5+s3] =	stream.indirect_vreg.scatter [tilespmem:s30], [sflag:$0x3], $0x80, v3, vm0, $0xb8;
	[tilespmem:$0x1C200] =	vst v63  }
0x64: {  	s31 =	simm.s32 $0x8A00  }
0x65: {  	[hbm4b:s6+s3] =	stream.indirect_vreg.scatter [tilespmem:s31], [sflag:$0x3], $0x80, v3, vm0, $0xb8;
	[tilespmem:$0x1C200] =	vst v63  }
0x66: {  	v3 =	vld [tilespmem:$0x30];
	_ =	sdelay $0x4  }
0x67: {  	v51 =	vshrl.u32 v3, $0x3  }
0x68: {  	v4 =	vmul.u32 $0x30, v51  }
0x69: {  	v3 =	vand.u32 $0x7, v3  }
0x6a: {  	v3 =	vor.u32 v3, v4  }
0x6b: {  	v4 =	vperm.xlane v3, v0;
	_ =	sdelay $0x1  }
0x6c: {  	v4 =	vadd.s32 v1, v4;
	_ =	sdelay $0x3  }
0x6d: {  	s9 =	simm.s32 $0x9200;
	v3 =	vperm.xlane v3, v2  }
0x6e: {  	[hbm4b:s4+s3] =	stream.indirect_vreg.scatter [tilespmem:s9], [sflag:$0x3], $0x80, v4, vm0, $0xb8;
	[tilespmem:$0x1C200] =	vst v63  }
0x6f: {  	s30 =	simm.s32 $0x9A00;
	v3 =	vadd.s32 v1, v3  }
0x70: {  	[hbm4b:s5+s3] =	stream.indirect_vreg.scatter [tilespmem:s30], [sflag:$0x3], $0x80, v4, vm0, $0xb8;
	[tilespmem:$0x1C200] =	vst v63  }
0x71: {  	s31 =	simm.s32 $0xA200  }
0x72: {  	[hbm4b:s6+s3] =	stream.indirect_vreg.scatter [tilespmem:s31], [sflag:$0x3], $0x80, v4, vm0, $0xb8;
	[tilespmem:$0x1C200] =	vst v63  }
0x73: {  	s9 =	simm.s32 $0xAA00  }
0x74: {  	[hbm4b:s4+s3] =	stream.indirect_vreg.scatter [tilespmem:s9], [sflag:$0x3], $0x80, v3, vm0, $0xb8;
	[tilespmem:$0x1C200] =	vst v63  }
0x75: {  	s30 =	simm.s32 $0xB200  }
0x76: {  	[hbm4b:s5+s3] =	stream.indirect_vreg.scatter [tilespmem:s30], [sflag:$0x3], $0x80, v3, vm0, $0xb8;
	[tilespmem:$0x1C200] =	vst v63  }
0x77: {  	s31 =	simm.s32 $0xBA00  }
0x78: {  	[hbm4b:s6+s3] =	stream.indirect_vreg.scatter [tilespmem:s31], [sflag:$0x3], $0x80, v3, vm0, $0xb8;
	[tilespmem:$0x1C200] =	vst v63  }
0x79: {  	s9 =	rddreg [dreg:$0x2]  }
0x7a: {  	[hbm4b:s9+s1] =	stream.indirect.scatter [tilespmem:s12], [sflag:$0x3], $0x80, s3, s1, $0xb8;
	[tilespmem:$0x1C200] =	vst v63  }
0x7b: {  	_ =	swait.ge [sflag:s19], $0xC000  }
0x7c: {  	[sflag:s19] =	ssyncset.done $0x0  }
0x7d: {  	[sflag:s19] =	ssyncadd.s32 $0xFFFF4000  }
0x7e: {  	_ =	swait.ge [sflag:s19], $0x2000  }
0x7f: {  	[sflag:s19] =	ssyncset.done $0x0  }
0x80: {  	[sflag:s19] =	ssyncadd.s32 $0xFFFFE000  }
0x81: {  	_ =	swait.ge [sflag:s20], $0xC000  }
0x82: {  	[sflag:s20] =	ssyncset.done $0x0  }
0x83: {  	[sflag:s20] =	ssyncadd.s32 $0xFFFF4000  }
0x84: {  	_ =	swait.ge [sflag:s20], $0x2000  }
0x85: {  	[sflag:s20] =	ssyncset.done $0x0  }
0x86: {  	s30 =	rddreg [dreg:$0x9];
	[sflag:s20] =	ssyncadd.s32 $0xFFFFE000  }
0x87: {  	[tilespmem:s10], [sflag:$0x1] =	stream.linear.gather [hbm4b:s30+s3], $0xC000, $0x38;
	[tilespmem:$0x1C200] =	vst v63  }
0x88: {  	s0 =	rddreg [dreg:$0xa]  }
0x89: {  	[tilespmem:s12], [sflag:$0x1] =	stream.linear.gather [hbm4b:s0+s3], $0x2000, $0x38;
	[tilespmem:$0x1C200] =	vst v63  }
0x8a: {  	v3 =	vld [tilespmem:$0x80];
	_ =	sdelay $0x4  }
0x8b: {  	v52 =	vshrl.u32 v3, $0x3  }
0x8c: {  	v4 =	vmul.u32 $0x30, v52  }
0x8d: {  	v3 =	vand.u32 $0x7, v3  }
0x8e: {  	v3 =	vor.u32 v3, v4  }
0x8f: {  	v4 =	vperm.xlane v3, v0;
	_ =	sdelay $0x1  }
0x90: {  	v4 =	vadd.s32 v1, v4;
	_ =	sdelay $0x3  }
0x91: {  	v3 =	vperm.xlane v3, v2  }
0x92: {  	[hbm4b:s4+s3] =	stream.indirect_vreg.scatter [tilespmem:s13], [sflag:$0x4], $0x80, v4, vm0, $0xb8;
	[tilespmem:$0x1C200] =	vst v63  }
0x93: {  	s31 =	simm.s32 $0xCA00;
	v3 =	vadd.s32 v1, v3  }
0x94: {  	[hbm4b:s5+s3] =	stream.indirect_vreg.scatter [tilespmem:s31], [sflag:$0x4], $0x80, v4, vm0, $0xb8;
	[tilespmem:$0x1C200] =	vst v63  }
0x95: {  	_ = 	snop  }
0x96: {  	[hbm4b:s6+s3] =	stream.indirect_vreg.scatter [tilespmem:s2], [sflag:$0x4], $0x80, v4, vm0, $0xb8;
	[tilespmem:$0x1C200] =	vst v63  }
0x97: {  	_ = 	snop  }
0x98: {  	[hbm4b:s4+s3] =	stream.indirect_vreg.scatter [tilespmem:s8], [sflag:$0x4], $0x80, v3, vm0, $0xb8;
	[tilespmem:$0x1C200] =	vst v63  }
0x99: {  	_ = 	snop  }
0x9a: {  	[hbm4b:s5+s3] =	stream.indirect_vreg.scatter [tilespmem:s14], [sflag:$0x4], $0x80, v3, vm0, $0xb8;
	[tilespmem:$0x1C200] =	vst v63  }
0x9b: {  	_ = 	snop  }
0x9c: {  	[hbm4b:s6+s3] =	stream.indirect_vreg.scatter [tilespmem:s15], [sflag:$0x4], $0x80, v3, vm0, $0xb8;
	[tilespmem:$0x1C200] =	vst v63  }
0x9d: {  	v3 =	vld [tilespmem:$0x90];
	_ =	sdelay $0x4  }
0x9e: {  	v53 =	vshrl.u32 v3, $0x3  }
0x9f: {  	v4 =	vmul.u32 $0x30, v53  }
0xa0: {  	v3 =	vand.u32 $0x7, v3  }
0xa1: {  	v3 =	vor.u32 v3, v4  }
0xa2: {  	v4 =	vperm.xlane v3, v0;
	_ =	sdelay $0x1  }
0xa3: {  	v4 =	vadd.s32 v1, v4;
	_ =	sdelay $0x3  }
0xa4: {  	v3 =	vperm.xlane v3, v2  }
0xa5: {  	[hbm4b:s4+s3] =	stream.indirect_vreg.scatter [tilespmem:s16], [sflag:$0x4], $0x80, v4, vm0, $0xb8;
	[tilespmem:$0x1C200] =	vst v63  }
0xa6: {  	v3 =	vadd.s32 v1, v3  }
0xa7: {  	[hbm4b:s5+s3] =	stream.indirect_vreg.scatter [tilespmem:s17], [sflag:$0x4], $0x80, v4, vm0, $0xb8;
	[tilespmem:$0x1C200] =	vst v63  }
0xa8: {  	_ = 	snop  }
0xa9: {  	[hbm4b:s6+s3] =	stream.indirect_vreg.scatter [tilespmem:s18], [sflag:$0x4], $0x80, v4, vm0, $0xb8;
	[tilespmem:$0x1C200] =	vst v63  }
0xaa: {  	_ = 	snop  }
0xab: {  	[hbm4b:s4+s3] =	stream.indirect_vreg.scatter [tilespmem:s21], [sflag:$0x4], $0x80, v3, vm0, $0xb8;
	[tilespmem:$0x1C200] =	vst v63  }
0xac: {  	_ = 	snop  }
0xad: {  	[hbm4b:s5+s3] =	stream.indirect_vreg.scatter [tilespmem:s22], [sflag:$0x4], $0x80, v3, vm0, $0xb8;
	[tilespmem:$0x1C200] =	vst v63  }
0xae: {  	_ = 	snop  }
0xaf: {  	[hbm4b:s6+s3] =	stream.indirect_vreg.scatter [tilespmem:s23], [sflag:$0x4], $0x80, v3, vm0, $0xb8;
	[tilespmem:$0x1C200] =	vst v63  }
0xb0: {  	v3 =	vld [tilespmem:$0xA0];
	_ =	sdelay $0x4  }
0xb1: {  	v54 =	vshrl.u32 v3, $0x3  }
0xb2: {  	v4 =	vmul.u32 $0x30, v54  }
0xb3: {  	v3 =	vand.u32 $0x7, v3  }
0xb4: {  	v3 =	vor.u32 v3, v4  }
0xb5: {  	v4 =	vperm.xlane v3, v0;
	_ =	sdelay $0x1  }
0xb6: {  	v4 =	vadd.s32 v1, v4;
	_ =	sdelay $0x3  }
0xb7: {  	v3 =	vperm.xlane v3, v2  }
0xb8: {  	[hbm4b:s4+s3] =	stream.indirect_vreg.scatter [tilespmem:s24], [sflag:$0x4], $0x80, v4, vm0, $0xb8;
	[tilespmem:$0x1C200] =	vst v63  }
0xb9: {  	v3 =	vadd.s32 v1, v3  }
0xba: {  	[hbm4b:s5+s3] =	stream.indirect_vreg.scatter [tilespmem:s25], [sflag:$0x4], $0x80, v4, vm0, $0xb8;
	[tilespmem:$0x1C200] =	vst v63  }
0xbb: {  	_ = 	snop  }
0xbc: {  	[hbm4b:s6+s3] =	stream.indirect_vreg.scatter [tilespmem:s26], [sflag:$0x4], $0x80, v4, vm0, $0xb8;
	[tilespmem:$0x1C200] =	vst v63  }
0xbd: {  	_ = 	snop  }
0xbe: {  	[hbm4b:s4+s3] =	stream.indirect_vreg.scatter [tilespmem:s28], [sflag:$0x4], $0x80, v3, vm0, $0xb8;
	[tilespmem:$0x1C200] =	vst v63  }
0xbf: {  	s30 =	simm.s32 $0x14200  }
0xc0: {  	[hbm4b:s5+s3] =	stream.indirect_vreg.scatter [tilespmem:s30], [sflag:$0x4], $0x80, v3, vm0, $0xb8;
	[tilespmem:$0x1C200] =	vst v63  }
0xc1: {  	s31 =	simm.s32 $0x14A00  }
0xc2: {  	[hbm4b:s6+s3] =	stream.indirect_vreg.scatter [tilespmem:s31], [sflag:$0x4], $0x80, v3, vm0, $0xb8;
	[tilespmem:$0x1C200] =	vst v63  }
0xc3: {  	v3 =	vld [tilespmem:$0xB0];
	_ =	sdelay $0x4  }
0xc4: {  	v55 =	vshrl.u32 v3, $0x3  }
0xc5: {  	v4 =	vmul.u32 $0x30, v55  }
0xc6: {  	v3 =	vand.u32 $0x7, v3  }
0xc7: {  	v3 =	vor.u32 v3, v4  }
0xc8: {  	v4 =	vperm.xlane v3, v0;
	_ =	sdelay $0x1  }
0xc9: {  	v4 =	vadd.s32 v1, v4;
	_ =	sdelay $0x3  }
0xca: {  	s30 =	simm.s32 $0x15200;
	v3 =	vperm.xlane v3, v2  }
0xcb: {  	[hbm4b:s4+s3] =	stream.indirect_vreg.scatter [tilespmem:s30], [sflag:$0x4], $0x80, v4, vm0, $0xb8;
	[tilespmem:$0x1C200] =	vst v63  }
0xcc: {  	s31 =	simm.s32 $0x15A00;
	v3 =	vadd.s32 v1, v3  }
0xcd: {  	[hbm4b:s5+s3] =	stream.indirect_vreg.scatter [tilespmem:s31], [sflag:$0x4], $0x80, v4, vm0, $0xb8;
	[tilespmem:$0x1C200] =	vst v63  }
0xce: {  	s30 =	simm.s32 $0x16200  }
0xcf: {  	[hbm4b:s6+s3] =	stream.indirect_vreg.scatter [tilespmem:s30], [sflag:$0x4], $0x80, v4, vm0, $0xb8;
	[tilespmem:$0x1C200] =	vst v63  }
0xd0: {  	s31 =	simm.s32 $0x16A00  }
0xd1: {  	[hbm4b:s4+s3] =	stream.indirect_vreg.scatter [tilespmem:s31], [sflag:$0x4], $0x80, v3, vm0, $0xb8;
	[tilespmem:$0x1C200] =	vst v63  }
0xd2: {  	s30 =	simm.s32 $0x17200  }
0xd3: {  	[hbm4b:s5+s3] =	stream.indirect_vreg.scatter [tilespmem:s30], [sflag:$0x4], $0x80, v3, vm0, $0xb8;
	[tilespmem:$0x1C200] =	vst v63  }
0xd4: {  	s31 =	simm.s32 $0x17A00  }
0xd5: {  	[hbm4b:s6+s3] =	stream.indirect_vreg.scatter [tilespmem:s31], [sflag:$0x4], $0x80, v3, vm0, $0xb8;
	[tilespmem:$0x1C200] =	vst v63  }
0xd6: {  	s0 =	simm.s32 $0x1A200;
	s30 =	rddreg [dreg:$0xd]  }
0xd7: {  	[hbm4b:s9+s1] =	stream.indirect.scatter [tilespmem:s0], [sflag:$0x4], $0x80, s30, s1, $0xb8;
	[tilespmem:$0x1C200] =	vst v63  }
0xd8: {  	_ =	swait.ge [sflag:s11], $0xC000  }
0xd9: {  	[sflag:s11] =	ssyncset.done $0x0  }
0xda: {  	[sflag:s11] =	ssyncadd.s32 $0xFFFF4000  }
0xdb: {  	_ =	swait.ge [sflag:s11], $0x2000  }
0xdc: {  	[sflag:s11] =	ssyncset.done $0x0  }
0xdd: {  	[sflag:s11] =	ssyncadd.s32 $0xFFFFE000  }
0xde: {  	_ =	swait.ge [sflag:s29], $0xC000  }
0xdf: {  	[sflag:s29] =	ssyncset.done $0x0  }
0xe0: {  	[sflag:s29] =	ssyncadd.s32 $0xFFFF4000  }
0xe1: {  	_ =	swait.ge [sflag:s29], $0x2000  }
0xe2: {  	[sflag:s29] =	ssyncset.done $0x0  }
0xe3: {  	s30 =	rddreg [dreg:$0xb];
	[sflag:s29] =	ssyncadd.s32 $0xFFFFE000  }
0xe4: {  	[tilespmem:s13], [sflag:$0x2] =	stream.linear.gather [hbm4b:s30+s3], $0xC000, $0x38;
	[tilespmem:$0x1C200] =	vst v63  }
0xe5: {  	s31 =	rddreg [dreg:$0xc]  }
0xe6: {  	[tilespmem:s0], [sflag:$0x2] =	stream.linear.gather [hbm4b:s31+s3], $0x2000, $0x38;
	[tilespmem:$0x1C200] =	vst v63  }
0xe7: {  	v3 =	vld [tilespmem:$0x100];
	_ =	sdelay $0x4  }
0xe8: {  	v56 =	vshrl.u32 v3, $0x3  }
0xe9: {  	v4 =	vmul.u32 $0x30, v56  }
0xea: {  	v3 =	vand.u32 $0x7, v3  }
0xeb: {  	v3 =	vor.u32 v3, v4  }
0xec: {  	v4 =	vperm.xlane v3, v0;
	_ =	sdelay $0x1  }
0xed: {  	v4 =	vadd.s32 v1, v4;
	_ =	sdelay $0x3  }
0xee: {  	v3 =	vperm.xlane v3, v2  }
0xef: {  	[hbm4b:s4+s3] =	stream.indirect_vreg.scatter [tilespmem:s10], [sflag:$0x3], $0x80, v4, vm0, $0xb8;
	[tilespmem:$0x1C200] =	vst v63  }
0xf0: {  	s30 =	simm.s32 $0xA00;
	v3 =	vadd.s32 v1, v3  }
0xf1: {  	[hbm4b:s5+s3] =	stream.indirect_vreg.scatter [tilespmem:s30], [sflag:$0x3], $0x80, v4, vm0, $0xb8;
	[tilespmem:$0x1C200] =	vst v63  }
0xf2: {  	s30 =	simm.s32 $0x1200  }
0xf3: {  	[hbm4b:s6+s3] =	stream.indirect_vreg.scatter [tilespmem:s30], [sflag:$0x3], $0x80, v4, vm0, $0xb8;
	[tilespmem:$0x1C200] =	vst v63  }
0xf4: {  	s30 =	simm.s32 $0x1A00  }
0xf5: {  	[hbm4b:s4+s3] =	stream.indirect_vreg.scatter [tilespmem:s30], [sflag:$0x3], $0x80, v3, vm0, $0xb8;
	[tilespmem:$0x1C200] =	vst v63  }
0xf6: {  	s30 =	simm.s32 $0x2200  }
0xf7: {  	[hbm4b:s5+s3] =	stream.indirect_vreg.scatter [tilespmem:s30], [sflag:$0x3], $0x80, v3, vm0, $0xb8;
	[tilespmem:$0x1C200] =	vst v63  }
0xf8: {  	s30 =	simm.s32 $0x2A00  }
0xf9: {  	[hbm4b:s6+s3] =	stream.indirect_vreg.scatter [tilespmem:s30], [sflag:$0x3], $0x80, v3, vm0, $0xb8;
	[tilespmem:$0x1C200] =	vst v63  }
0xfa: {  	v3 =	vld [tilespmem:$0x110];
	_ =	sdelay $0x4  }
0xfb: {  	v57 =	vshrl.u32 v3, $0x3  }
0xfc: {  	v4 =	vmul.u32 $0x30, v57  }
0xfd: {  	v3 =	vand.u32 $0x7, v3  }
0xfe: {  	v3 =	vor.u32 v3, v4  }
0xff: {  	v4 =	vperm.xlane v3, v0;
	_ =	sdelay $0x1  }
0x100: {  	v4 =	vadd.s32 v1, v4;
	_ =	sdelay $0x3  }
0x101: {  	s30 =	simm.s32 $0x3200;
	v3 =	vperm.xlane v3, v2  }
0x102: {  	[hbm4b:s4+s3] =	stream.indirect_vreg.scatter [tilespmem:s30], [sflag:$0x3], $0x80, v4, vm0, $0xb8;
	[tilespmem:$0x1C200] =	vst v63  }
0x103: {  	v3 =	vadd.s32 v1, v3;
	s30 =	simm.s32 $0x3A00  }
0x104: {  	[hbm4b:s5+s3] =	stream.indirect_vreg.scatter [tilespmem:s30], [sflag:$0x3], $0x80, v4, vm0, $0xb8;
	[tilespmem:$0x1C200] =	vst v63  }
0x105: {  	s30 =	simm.s32 $0x4200  }
0x106: {  	[hbm4b:s6+s3] =	stream.indirect_vreg.scatter [tilespmem:s30], [sflag:$0x3], $0x80, v4, vm0, $0xb8;
	[tilespmem:$0x1C200] =	vst v63  }
0x107: {  	s30 =	simm.s32 $0x4A00  }
0x108: {  	[hbm4b:s4+s3] =	stream.indirect_vreg.scatter [tilespmem:s30], [sflag:$0x3], $0x80, v3, vm0, $0xb8;
	[tilespmem:$0x1C200] =	vst v63  }
0x109: {  	s30 =	simm.s32 $0x5200  }
0x10a: {  	[hbm4b:s5+s3] =	stream.indirect_vreg.scatter [tilespmem:s30], [sflag:$0x3], $0x80, v3, vm0, $0xb8;
	[tilespmem:$0x1C200] =	vst v63  }
0x10b: {  	s30 =	simm.s32 $0x5A00  }
0x10c: {  	[hbm4b:s6+s3] =	stream.indirect_vreg.scatter [tilespmem:s30], [sflag:$0x3], $0x80, v3, vm0, $0xb8;
	[tilespmem:$0x1C200] =	vst v63  }
0x10d: {  	v3 =	vld [tilespmem:$0x120];
	_ =	sdelay $0x4  }
0x10e: {  	v58 =	vshrl.u32 v3, $0x3  }
0x10f: {  	v4 =	vmul.u32 $0x30, v58  }
0x110: {  	v3 =	vand.u32 $0x7, v3  }
0x111: {  	v3 =	vor.u32 v3, v4  }
0x112: {  	v4 =	vperm.xlane v3, v0;
	_ =	sdelay $0x1  }
0x113: {  	v4 =	vadd.s32 v1, v4;
	_ =	sdelay $0x3  }
0x114: {  	s30 =	simm.s32 $0x6200;
	v3 =	vperm.xlane v3, v2  }
0x115: {  	[hbm4b:s4+s3] =	stream.indirect_vreg.scatter [tilespmem:s30], [sflag:$0x3], $0x80, v4, vm0, $0xb8;
	[tilespmem:$0x1C200] =	vst v63  }
0x116: {  	v3 =	vadd.s32 v1, v3;
	s30 =	simm.s32 $0x6A00  }
0x117: {  	[hbm4b:s5+s3] =	stream.indirect_vreg.scatter [tilespmem:s30], [sflag:$0x3], $0x80, v4, vm0, $0xb8;
	[tilespmem:$0x1C200] =	vst v63  }
0x118: {  	s30 =	simm.s32 $0x7200  }
0x119: {  	[hbm4b:s6+s3] =	stream.indirect_vreg.scatter [tilespmem:s30], [sflag:$0x3], $0x80, v4, vm0, $0xb8;
	[tilespmem:$0x1C200] =	vst v63  }
0x11a: {  	s30 =	simm.s32 $0x7A00  }
0x11b: {  	[hbm4b:s4+s3] =	stream.indirect_vreg.scatter [tilespmem:s30], [sflag:$0x3], $0x80, v3, vm0, $0xb8;
	[tilespmem:$0x1C200] =	vst v63  }
0x11c: {  	s30 =	simm.s32 $0x8200  }
0x11d: {  	[hbm4b:s5+s3] =	stream.indirect_vreg.scatter [tilespmem:s30], [sflag:$0x3], $0x80, v3, vm0, $0xb8;
	[tilespmem:$0x1C200] =	vst v63  }
0x11e: {  	s30 =	simm.s32 $0x8A00  }
0x11f: {  	[hbm4b:s6+s3] =	stream.indirect_vreg.scatter [tilespmem:s30], [sflag:$0x3], $0x80, v3, vm0, $0xb8;
	[tilespmem:$0x1C200] =	vst v63  }
0x120: {  	v3 =	vld [tilespmem:$0x130];
	_ =	sdelay $0x4  }
0x121: {  	v59 =	vshrl.u32 v3, $0x3  }
0x122: {  	v4 =	vmul.u32 $0x30, v59  }
0x123: {  	v3 =	vand.u32 $0x7, v3  }
0x124: {  	v3 =	vor.u32 v3, v4  }
0x125: {  	v4 =	vperm.xlane v3, v0;
	_ =	sdelay $0x1  }
0x126: {  	v4 =	vadd.s32 v1, v4;
	_ =	sdelay $0x3  }
0x127: {  	s30 =	simm.s32 $0x9200;
	v3 =	vperm.xlane v3, v2  }
0x128: {  	[hbm4b:s4+s3] =	stream.indirect_vreg.scatter [tilespmem:s30], [sflag:$0x3], $0x80, v4, vm0, $0xb8;
	[tilespmem:$0x1C200] =	vst v63  }
0x129: {  	v3 =	vadd.s32 v1, v3;
	s30 =	simm.s32 $0x9A00  }
0x12a: {  	[hbm4b:s5+s3] =	stream.indirect_vreg.scatter [tilespmem:s30], [sflag:$0x3], $0x80, v4, vm0, $0xb8;
	[tilespmem:$0x1C200] =	vst v63  }
0x12b: {  	s30 =	simm.s32 $0xA200  }
0x12c: {  	[hbm4b:s6+s3] =	stream.indirect_vreg.scatter [tilespmem:s30], [sflag:$0x3], $0x80, v4, vm0, $0xb8;
	[tilespmem:$0x1C200] =	vst v63  }
0x12d: {  	s30 =	simm.s32 $0xAA00  }
0x12e: {  	[hbm4b:s4+s3] =	stream.indirect_vreg.scatter [tilespmem:s30], [sflag:$0x3], $0x80, v3, vm0, $0xb8;
	[tilespmem:$0x1C200] =	vst v63  }
0x12f: {  	s30 =	simm.s32 $0xB200  }
0x130: {  	[hbm4b:s5+s3] =	stream.indirect_vreg.scatter [tilespmem:s30], [sflag:$0x3], $0x80, v3, vm0, $0xb8;
	[tilespmem:$0x1C200] =	vst v63  }
0x131: {  	s0 =	simm.s32 $0xBA00  }
0x132: {  	[hbm4b:s6+s3] =	stream.indirect_vreg.scatter [tilespmem:s0], [sflag:$0x3], $0x80, v3, vm0, $0xb8;
	[tilespmem:$0x1C200] =	vst v63  }
0x133: {  	s30 =	rddreg [dreg:$0xe]  }
0x134: {  	[hbm4b:s9+s1] =	stream.indirect.scatter [tilespmem:s12], [sflag:$0x3], $0x80, s30, s1, $0xb8;
	[tilespmem:$0x1C200] =	vst v63  }
0x135: {  	_ =	swait.ge [sflag:s19], $0xC000  }
0x136: {  	[sflag:s19] =	ssyncset.done $0x0  }
0x137: {  	[sflag:s19] =	ssyncadd.s32 $0xFFFF4000  }
0x138: {  	_ =	swait.ge [sflag:s19], $0x2000  }
0x139: {  	[sflag:s19] =	ssyncset.done $0x0  }
0x13a: {  	[sflag:s19] =	ssyncadd.s32 $0xFFFFE000  }
0x13b: {  	v3 =	vld [tilespmem:$0x180];
	_ =	sdelay $0x4  }
0x13c: {  	v60 =	vshrl.u32 v3, $0x3  }
0x13d: {  	v4 =	vmul.u32 $0x30, v60  }
0x13e: {  	v3 =	vand.u32 $0x7, v3  }
0x13f: {  	v3 =	vor.u32 v3, v4  }
0x140: {  	v4 =	vperm.xlane v3, v0;
	_ =	sdelay $0x1  }
0x141: {  	v4 =	vadd.s32 v1, v4;
	_ =	sdelay $0x3  }
0x142: {  	v3 =	vperm.xlane v3, v2  }
0x143: {  	[hbm4b:s4+s3] =	stream.indirect_vreg.scatter [tilespmem:s13], [sflag:$0x4], $0x80, v4, vm0, $0xb8;
	[tilespmem:$0x1C200] =	vst v63  }
0x144: {  	s30 =	simm.s32 $0xCA00;
	v3 =	vadd.s32 v1, v3  }
0x145: {  	[hbm4b:s5+s3] =	stream.indirect_vreg.scatter [tilespmem:s30], [sflag:$0x4], $0x80, v4, vm0, $0xb8;
	[tilespmem:$0x1C200] =	vst v63  }
0x146: {  	_ = 	snop  }
0x147: {  	[hbm4b:s6+s3] =	stream.indirect_vreg.scatter [tilespmem:s2], [sflag:$0x4], $0x80, v4, vm0, $0xb8;
	[tilespmem:$0x1C200] =	vst v63  }
0x148: {  	_ = 	snop  }
0x149: {  	[hbm4b:s4+s3] =	stream.indirect_vreg.scatter [tilespmem:s8], [sflag:$0x4], $0x80, v3, vm0, $0xb8;
	[tilespmem:$0x1C200] =	vst v63  }
0x14a: {  	_ = 	snop  }
0x14b: {  	[hbm4b:s5+s3] =	stream.indirect_vreg.scatter [tilespmem:s14], [sflag:$0x4], $0x80, v3, vm0, $0xb8;
	[tilespmem:$0x1C200] =	vst v63  }
0x14c: {  	_ = 	snop  }
0x14d: {  	[hbm4b:s6+s3] =	stream.indirect_vreg.scatter [tilespmem:s15], [sflag:$0x4], $0x80, v3, vm0, $0xb8;
	[tilespmem:$0x1C200] =	vst v63  }
0x14e: {  	v3 =	vld [tilespmem:$0x190];
	_ =	sdelay $0x4  }
0x14f: {  	v61 =	vshrl.u32 v3, $0x3  }
0x150: {  	v4 =	vmul.u32 $0x30, v61  }
0x151: {  	v3 =	vand.u32 $0x7, v3  }
0x152: {  	v3 =	vor.u32 v3, v4  }
0x153: {  	v4 =	vperm.xlane v3, v0;
	_ =	sdelay $0x1  }
0x154: {  	v4 =	vadd.s32 v1, v4;
	_ =	sdelay $0x3  }
0x155: {  	v3 =	vperm.xlane v3, v2  }
0x156: {  	[hbm4b:s4+s3] =	stream.indirect_vreg.scatter [tilespmem:s16], [sflag:$0x4], $0x80, v4, vm0, $0xb8;
	[tilespmem:$0x1C200] =	vst v63  }
0x157: {  	v3 =	vadd.s32 v1, v3  }
0x158: {  	[hbm4b:s5+s3] =	stream.indirect_vreg.scatter [tilespmem:s17], [sflag:$0x4], $0x80, v4, vm0, $0xb8;
	[tilespmem:$0x1C200] =	vst v63  }
0x159: {  	_ = 	snop  }
0x15a: {  	[hbm4b:s6+s3] =	stream.indirect_vreg.scatter [tilespmem:s18], [sflag:$0x4], $0x80, v4, vm0, $0xb8;
	[tilespmem:$0x1C200] =	vst v63  }
0x15b: {  	_ = 	snop  }
0x15c: {  	[hbm4b:s4+s3] =	stream.indirect_vreg.scatter [tilespmem:s21], [sflag:$0x4], $0x80, v3, vm0, $0xb8;
	[tilespmem:$0x1C200] =	vst v63  }
0x15d: {  	_ = 	snop  }
0x15e: {  	[hbm4b:s5+s3] =	stream.indirect_vreg.scatter [tilespmem:s22], [sflag:$0x4], $0x80, v3, vm0, $0xb8;
	[tilespmem:$0x1C200] =	vst v63  }
0x15f: {  	_ = 	snop  }
0x160: {  	[hbm4b:s6+s3] =	stream.indirect_vreg.scatter [tilespmem:s23], [sflag:$0x4], $0x80, v3, vm0, $0xb8;
	[tilespmem:$0x1C200] =	vst v63  }
0x161: {  	v3 =	vld [tilespmem:$0x1A0];
	_ =	sdelay $0x4  }
0x162: {  	v62 =	vshrl.u32 v3, $0x3  }
0x163: {  	v4 =	vmul.u32 $0x30, v62  }
0x164: {  	v3 =	vand.u32 $0x7, v3  }
0x165: {  	v3 =	vor.u32 v3, v4  }
0x166: {  	v4 =	vperm.xlane v3, v0;
	_ =	sdelay $0x1  }
0x167: {  	v4 =	vadd.s32 v1, v4;
	_ =	sdelay $0x3  }
0x168: {  	v3 =	vperm.xlane v3, v2  }
0x169: {  	[hbm4b:s4+s3] =	stream.indirect_vreg.scatter [tilespmem:s24], [sflag:$0x4], $0x80, v4, vm0, $0xb8;
	[tilespmem:$0x1C200] =	vst v63  }
0x16a: {  	v3 =	vadd.s32 v1, v3  }
0x16b: {  	[hbm4b:s5+s3] =	stream.indirect_vreg.scatter [tilespmem:s25], [sflag:$0x4], $0x80, v4, vm0, $0xb8;
	[tilespmem:$0x1C200] =	vst v63  }
0x16c: {  	_ = 	snop  }
0x16d: {  	[hbm4b:s6+s3] =	stream.indirect_vreg.scatter [tilespmem:s26], [sflag:$0x4], $0x80, v4, vm0, $0xb8;
	[tilespmem:$0x1C200] =	vst v63  }
0x16e: {  	_ = 	snop  }
0x16f: {  	[hbm4b:s4+s3] =	stream.indirect_vreg.scatter [tilespmem:s28], [sflag:$0x4], $0x80, v3, vm0, $0xb8;
	[tilespmem:$0x1C200] =	vst v63  }
0x170: {  	s30 =	simm.s32 $0x14200  }
0x171: {  	[hbm4b:s5+s3] =	stream.indirect_vreg.scatter [tilespmem:s30], [sflag:$0x4], $0x80, v3, vm0, $0xb8;
	[tilespmem:$0x1C200] =	vst v63  }
0x172: {  	s30 =	simm.s32 $0x14A00  }
0x173: {  	[hbm4b:s6+s3] =	stream.indirect_vreg.scatter [tilespmem:s30], [sflag:$0x4], $0x80, v3, vm0, $0xb8;
	[tilespmem:$0x1C200] =	vst v63  }
0x174: {  	v3 =	vld [tilespmem:$0x1B0];
	_ =	sdelay $0x4  }
0x175: {  	v63 =	vshrl.u32 v3, $0x3  }
0x176: {  	v4 =	vmul.u32 $0x30, v63  }
0x177: {  	v3 =	vand.u32 $0x7, v3  }
0x178: {  	v3 =	vor.u32 v3, v4  }
0x179: {  	v4 =	vperm.xlane v3, v0;
	_ =	sdelay $0x1  }
0x17a: {  	v4 =	vadd.s32 v1, v4;
	_ =	sdelay $0x3  }
0x17b: {  	s30 =	simm.s32 $0x15200;
	v3 =	vperm.xlane v3, v2  }
0x17c: {  	[hbm4b:s4+s3] =	stream.indirect_vreg.scatter [tilespmem:s30], [sflag:$0x4], $0x80, v4, vm0, $0xb8;
	[tilespmem:$0x1C200] =	vst v63  }
0x17d: {  	v3 =	vadd.s32 v1, v3;
	s30 =	simm.s32 $0x15A00  }
0x17e: {  	[hbm4b:s5+s3] =	stream.indirect_vreg.scatter [tilespmem:s30], [sflag:$0x4], $0x80, v4, vm0, $0xb8;
	[tilespmem:$0x1C200] =	vst v63  }
0x17f: {  	s30 =	simm.s32 $0x16200  }
0x180: {  	[hbm4b:s6+s3] =	stream.indirect_vreg.scatter [tilespmem:s30], [sflag:$0x4], $0x80, v4, vm0, $0xb8;
	[tilespmem:$0x1C200] =	vst v63  }
0x181: {  	s30 =	simm.s32 $0x16A00  }
0x182: {  	[hbm4b:s4+s3] =	stream.indirect_vreg.scatter [tilespmem:s30], [sflag:$0x4], $0x80, v3, vm0, $0xb8;
	[tilespmem:$0x1C200] =	vst v63  }
0x183: {  	s30 =	simm.s32 $0x17200  }
0x184: {  	[hbm4b:s5+s3] =	stream.indirect_vreg.scatter [tilespmem:s30], [sflag:$0x4], $0x80, v3, vm0, $0xb8;
	[tilespmem:$0x1C200] =	vst v63  }
0x185: {  	s0 =	simm.s32 $0x17A00  }
0x186: {  	[hbm4b:s6+s3] =	stream.indirect_vreg.scatter [tilespmem:s0], [sflag:$0x4], $0x80, v3, vm0, $0xb8;
	[tilespmem:$0x1C200] =	vst v63  }
0x187: {  	s31 =	simm.s32 $0x1A200;
	s30 =	rddreg [dreg:$0xf]  }
0x188: {  	[hbm4b:s9+s1] =	stream.indirect.scatter [tilespmem:s31], [sflag:$0x4], $0x80, s30, s1, $0xb8;
	[tilespmem:$0x1C200] =	vst v63  }
0x189: {  	_ =	swait.ge [sflag:s20], $0xC000  }
0x18a: {  	[sflag:s20] =	ssyncset.done $0x0  }
0x18b: {  	[sflag:s20] =	ssyncadd.s32 $0xFFFF4000  }
0x18c: {  	_ =	swait.ge [sflag:s20], $0x2000  }
0x18d: {  	[sflag:s20] =	ssyncset.done $0x0  }
0x18e: {  	[sflag:s20] =	ssyncadd.s32 $0xFFFFE000  }
0x18f: {  	p0 =	sne.s32 s7, $0x1;
	_ =	swait.ge [sflag:s29], $0xC000  }
.Ltmp0:
0x190: {  	[sflag:s29] =	ssyncset.done $0x0;
	(pc) =	sbr.rel @p0 .LBB2_1-.Ltmp0, $4  }
0x191: {  	[sflag:s29] =	ssyncadd.s32 $0xFFFF4000  }
0x192: {  	_ =	swait.ge [sflag:s29], $0x2000  }
0x193: {  	[sflag:s29] =	ssyncset.done $0x0  }
0x194: {  	s7 =	sadd.s32 $0xFFFFFFFF, s7;
	[sflag:s29] =	ssyncadd.s32 $0xFFFFE000  }
0x195: {  	_ =	sfence.sel $0x180000  }
0x196: {  	[bflag:$0x0] =	sbarrier.arrive $0xFFFF  }
0x197: {  	_ =	strace $0x90000047  }
0x198: {  	s0 =	stileid.u32;
	[bflag:$0x2] =	sbarrier.arrive $0xFFFF  }
0x199: {  	p0 =	sne.s32 s0, $0x0;
	s0 =	rddreg [dreg:$0x3]  }
0x19a: {  	s0 =	sadd.s32 @!p0 $0x100000, s0  }
0x19b: {  	[sflag:s0] =	ssyncadd.tile.s32 @!p0 $0x1;
	_ =	shalt  }
.Lfunc_end2:
_tile_overlayer_lowered:
.L_overlay_start_2:
0x19c: {  	(tag) =	ssettag $0x2  }
0x19d: {  	s0 =	rddreg [dreg:$0x0];
	s2 =	stileid.u32  }
0x19e: {  	s1 =	rddreg [dreg:$0x1];
	p0 =	sne.s32 s2, $0x0  }
0x19f: {  	s3 =	rddreg [dreg:$0x2];
	[bflag:$0x3] =	sbarrier.arrive $0xFFFF;
	s2 =	simm.s32 @!p0 $0x1C05  }
0x1a0: {  	[timem:s3], [sflag:s2] =	dma.local @!p0 [hbm:s0], s1  }
0x1a1: {  	s0 =	simm.s32 @!p0 $0x5  }
0x1a2: {  	_ =	swait.ge @!p0 [sflag:s0], s1  }
0x1a3: {  	s1 =	ssub.s32 @!p0 $0x0, s1;
	[sflag:s0] =	ssyncset.done @!p0 $0x0  }
0x1a4: {  	[sflag:s0] =	ssyncadd.s32 @!p0 s1  }
0x1a5: {  	[bflag:$0x3] =	sbarrier.arrive $0xFFFF  }
0x1a6: {  	_ =	shalt  }

// kernel: kernel.9.cloned.1.call-start
scs
__scs_entry_jumppad:
0x0: {  	(pc) =	sbr.rel $0x88, $3  }
0x1: {  	(tag) =	ssettag $0x0;
	lr =	simm.s32 $0x1  }
0x2: {  	[smem:$0x3F9C] =	sst lr;
	_ =	strace $0xD0000000  }
0x3: {  	_ = 	snop  }
0x4: {  	_ = 	snop  }
0x5: {  	_ = 	snop  }
0x6: {  	_ = 	snop  }
0x7: {  	_ = 	snop  }
__scs_overlays_trampoline_lowered:
0x8: {  	[smem:$0x3FAB] =	sst s0  }
0x9: {  	[smem:$0x3FAC] =	sst s1  }
0xa: {  	[smem:$0x3FAD] =	sst s2  }
0xb: {  	[smem:$0x3FAE] =	sst s3  }
0xc: {  	[smem:$0x3FAF] =	sst s4  }
0xd: {  	[smem:$0x3FB0] =	sst s5  }
0xe: {  	[smem:$0x3FB1] =	sst s6  }
0xf: {  	[smem:$0x3FB2] =	sst s7  }
0x10: {  	[smem:$0x3FB3] =	sst s8  }
0x11: {  	[smem:$0x3FB4] =	sst s9;
	s0 =	simm.s32 @!p0 $0x0  }
0x12: {  	s1 =	sld [smem:$0x3F9A];
	s0 =	simm.s32 @p0 $0x1  }
0x13: {  	[smem:$0x3FB5] =	sst s0;
	s0 =	simm.s32 @!p1 $0x0  }
0x14: {  	s2 =	sld [smem:$0x3F99];
	s0 =	simm.s32 @p1 $0x1  }
0x15: {  	[smem:$0x3FB6] =	sst s0;
	s0 =	simm.s32 @!p2 $0x0  }
0x16: {  	s3 =	sld [smem:$0x3FDB];
	s0 =	simm.s32 @p2 $0x1  }
0x17: {  	s4 =	simm.s32 $0x1BF5;
	[smem:$0x3FB8] =	sst s0  }
0x18: {  	s0 =	sld [smem:$0x3F9B];
	_ =	swait.ge [sflag:s4], $0x0  }
0x19: {  	s7 =	sld [smem:$0x3F9C]  }
0x1a: {  	s8 =	sadd.s32 $0xFFFFE003, lr  }
0x1b: {  	s9 =	sadd.s32 $0xFFFFFEF7, lr;
	s5 =	simm.s32 $0xFFFFFFFF;
	p2 =	slt.u32 s8, $0xFFFFF086  }
0x1c: {  	p1 =	slt.u32 s9, $0xF7A;
	s5 =	simm.s32 @!p2 $0x0  }
0x1d: {  	s5 =	simm.s32 @p1 $0x1;
	p0 =	seq.s32 s7, s2  }
0x1e: {  	s7 =	smul.u32 @!p0 $0xF7A, s2;
	p2 =	seq.s32 @!p0 s5, $0x0  }
0x1f: {  	s9 =	smul.u32 $0xF7A, s1;
	s8 =	simm.s32 @!p0 $0x1BF5;
	p2 =	por !p2, p0  }
0x20: {  	[sflag:s8] =	ssyncset.s32 @!p0 $0xFFFFF086;
	s6 =	sadd.s32 @!p0 s3, s7;
	s7 =	simm.s32 @!p0 $0x108  }
0x21: {  	s3 =	sadd.s32 s3, s9;
	s6 =	sadd.s32 @!p0 $0x88, s6;
	s7 =	simm.s32 @p2 $0x1082  }
0x22: {  	[simem:s7], [sflag:s8] =	dma.local @!p0 [hbm:s6], $0xF7A  }
0x23: {  	s9 =	sor.u32 $0xD0000000, s2;
	s6 =	simm.s32 $0x108;
	_ =	swait.ge @!p0 [sflag:s8], $0x0  }
0x24: {  	s3 =	sadd.s32 $0x88, s3;
	s6 =	simm.s32 @!p1 $0x1082;
	[sflag:s4] =	ssyncset.s32 $0xFFFFF086  }
0x25: {  	[simem:s6], [sflag:s4] =	dma.local [hbm:s3], $0xF7A  }
0x26: {  	[smem:$0x3F9C] =	sst s1;
	(tag) =	ssettag s2;
	_ =	strace s9  }
0x27: {  	s1 =	sld [smem:$0x3FAC]  }
0x28: {  	s2 =	sld [smem:$0x3FAD]  }
0x29: {  	s4 =	sld [smem:$0x3FAF]  }
0x2a: {  	p0 =	seq.s32 s5, $0x0;
	s5 =	sld [smem:$0x3FB0]  }
0x2b: {  	s6 =	sld [smem:$0x3FB1]  }
0x2c: {  	s7 =	sld [smem:$0x3FB2]  }
0x2d: {  	s3 =	simm.s32 $0x108;
	s8 =	sld [smem:$0x3FB3]  }
0x2e: {  	s3 =	simm.s32 @!p0 $0x1082;
	s9 =	sld [smem:$0x3FB4]  }
0x2f: {  	lr =	sadd.s32 s0, s3;
	s0 =	sld [smem:$0x3FAB]  }
0x30: {  	s3 =	sld [smem:$0x3FAE]  }
0x31: {  	[smem:$0x3FB7] =	sst s10  }
0x32: {  	s10 =	sld [smem:$0x3FB5];
	_ =	sdelay $0x3  }
0x33: {  	p0 =	seq.s32 s10, $0x1;
	s10 =	sld [smem:$0x3FB7];
	_ =	sdelay $0x3  }
0x34: {  	[smem:$0x3FB7] =	sst s10  }
0x35: {  	s10 =	sld [smem:$0x3FB6];
	_ =	sdelay $0x3  }
0x36: {  	p1 =	seq.s32 s10, $0x1;
	s10 =	sld [smem:$0x3FB7];
	_ =	sdelay $0x3  }
0x37: {  	[smem:$0x3FB7] =	sst s10  }
0x38: {  	s10 =	sld [smem:$0x3FB8]  }
0x39: {  	_ = 	snop;
	(pc) =	sbr.ind lr, $3  }
0x3a: {  	_ = 	snop  }
0x3b: {  	_ = 	snop  }
0x3c: {  	p2 =	seq.s32 s10, $0x1;
	s10 =	sld [smem:$0x3FB7]  }
0x3d: {  	_ =	shalt  }
0x3e: {  	_ =	shalt  }
0x3f: {  	_ =	shalt  }
0x40: {  	_ =	shalt  }
0x41: {  	_ =	shalt  }
0x42: {  	_ =	shalt  }
0x43: {  	_ =	shalt  }
0x44: {  	_ =	shalt  }
0x45: {  	_ =	shalt  }
0x46: {  	_ =	shalt  }
0x47: {  	_ =	shalt  }
0x48: {  	_ =	shalt  }
0x49: {  	_ =	shalt  }
0x4a: {  	_ =	shalt  }
0x4b: {  	_ =	shalt  }
0x4c: {  	_ =	shalt  }
0x4d: {  	_ =	shalt  }
0x4e: {  	_ =	shalt  }
0x4f: {  	_ =	shalt  }
0x50: {  	_ =	shalt  }
0x51: {  	_ =	shalt  }
0x52: {  	_ =	shalt  }
0x53: {  	_ =	shalt  }
0x54: {  	_ =	shalt  }
0x55: {  	_ =	shalt  }
0x56: {  	_ =	shalt  }
0x57: {  	_ =	shalt  }
0x58: {  	_ =	shalt  }
0x59: {  	_ =	shalt  }
0x5a: {  	_ =	shalt  }
0x5b: {  	_ =	shalt  }
0x5c: {  	_ =	shalt  }
0x5d: {  	_ =	shalt  }
0x5e: {  	_ =	shalt  }
0x5f: {  	_ =	shalt  }
0x60: {  	_ =	shalt  }
0x61: {  	_ =	shalt  }
0x62: {  	_ =	shalt  }
0x63: {  	_ =	shalt  }
0x64: {  	_ =	shalt  }
0x65: {  	_ =	shalt  }
0x66: {  	_ =	shalt  }
0x67: {  	_ =	shalt  }
0x68: {  	_ =	shalt  }
0x69: {  	_ =	shalt  }
0x6a: {  	_ =	shalt  }
0x6b: {  	_ =	shalt  }
0x6c: {  	_ =	shalt  }
0x6d: {  	_ =	shalt  }
0x6e: {  	_ =	shalt  }
0x6f: {  	_ =	shalt  }
0x70: {  	_ =	shalt  }
0x71: {  	_ =	shalt  }
0x72: {  	_ =	shalt  }
0x73: {  	_ =	shalt  }
0x74: {  	_ =	shalt  }
0x75: {  	_ =	shalt  }
0x76: {  	_ =	shalt  }
0x77: {  	_ =	shalt  }
0x78: {  	_ =	shalt  }
0x79: {  	_ =	shalt  }
0x7a: {  	_ =	shalt  }
0x7b: {  	_ =	shalt  }
0x7c: {  	_ =	shalt  }
0x7d: {  	_ =	shalt  }
0x7e: {  	_ =	shalt  }
0x7f: {  	_ =	shalt  }
0x80: {  	_ =	shalt  }
0x81: {  	_ =	shalt  }
0x82: {  	_ =	shalt  }
0x83: {  	_ =	shalt  }
0x84: {  	_ =	shalt  }
0x85: {  	_ =	shalt  }
0x86: {  	_ =	shalt  }
0x87: {  	_ =	shalt  }
.Lfunc_end0:
.L_simem_size_0:
called_computation.1_lowered:
.L_overlay_start_0:
0x88: {  	s2 =	sld [smem:$0x3FD9]  }
0x89: {  	s3 =	sld [smem:$0x3FFE];
	_ =	sdelay $0x1  }
0x8a: {  	s1 =	srdreg.scid  }
0x8b: {  	s0 =	sand.u32 $0x1, s1  }
0x8c: {  	s14 =	sshll.u32 s0, $0xA;
	s2 =	sadd.s32 s3, s2  }
0x8d: {  	s2 =	sadd.s32 s2, s14  }
0x8e: {  	[smem:$0x3FC3] =	sst s2  }
0x8f: {  	_ = 	snop  }
0x90: {  	s2 =	sld [smem:$0x3FD0];
	_ =	sdelay $0x2  }
0x91: {  	s15 =	simm.s32 $0xA;
	s4 =	simm.s32 $0x10  }
0x92: {  	[smem:s4], [sflag:s15] =	dma.local [hbm:s2], $0x1  }
0x93: {  	_ =	swait.eq [sflag:s15], $0x1  }
0x94: {  	[sflag:s15] =	ssyncset.done $0x0  }
0x95: {  	[sflag:s15] =	ssyncadd.s32 $0xFFFFFFFF  }
0x96: {  	s16 =	sld [smem:$0x10];
	(tm) =	ssettm $0x1  }
0x97: {  	s17 =	sld [smem:$0x3FFB];
	_ =	sdelay $0x3  }
0x98: {  	_ =	strace s17  }
0x99: {  	s3 =	sld [smem:$0x3FFC];
	_ =	sdelay $0x3  }
0x9a: {  	_ =	strace s3  }
0x9b: {  	s3 =	sld [smem:$0x3FFD];
	_ =	sdelay $0x3  }
0x9c: {  	_ =	strace s3  }
0x9d: {  	_ =	strace $0x8FFFFFFF  }
0x9e: {  	s18 =	sld [smem:$0x3FDB];
	_ =	sdelay $0x1  }
0x9f: {  	s19 =	simm.s32 $_scs_section_size  }
0xa0: {  	s5 =	simm.s32 $_size__tile_overlayer_lowered;
	s6 =	simm.s32 $_tile_overlayer_lowered  }
0xa1: {  	s22 =	simm.s32 $0x1BFF;
	s21 =	sshll.u32 s6, $0x1;
	s3 =	sadd.s32 s19, s18  }
0xa2: {  	s7 =	simm.s32 $0x0;
	s20 =	sshll.u32 s5, $0x1;
	s5 =	sadd.s32 s21, s3  }
0xa3: {  	[timem:s7], [sflag:s22] =	dma.local [hbm:s5], s20  }
0xa4: {  	_ =	swait.ge [sflag:s22], s20  }
0xa5: {  	s4 =	ssub.s32 $0x0, s20;
	[sflag:s22] =	ssyncset.done $0x0  }
0xa6: {  	[sflag:s22] =	ssyncadd.s32 s4;
	_ =	sdelay $0x1  }
0xa7: {  	s23 =	simm.s32 $0x1B8B  }
0xa8: {  	_ =	swait.ge [sflag:s23], $0x1  }
0xa9: {  	[sflag:s23] =	ssyncset.done $0x0  }
0xaa: {  	s25 =	simm.s32 $0x1B8E;
	s24 =	sld [smem:$0x3FFE];
	[sflag:s23] =	ssyncadd.s32 $0xFFFFFFFF  }
0xab: {  	s26 =	simm.s32 $execute0_lowered;
	[smem:$0x3FD2] =	sst s25  }
0xac: {  	s5 =	sshll.u32 s26, $0x1;
	_ =	strace $0x80000049;
	[dreg:$0x1] =	wrdreg $0xFFFFFFFF  }
0xad: {  	s28 =	simm.s32 $_size_execute0_lowered;
	s3 =	sadd.s32 s3, s5;
	[dreg:$0x0] =	wrdreg $0x0  }
0xae: {  	s5 =	sshll.u32 s28, $0x1;
	[dreg:$0x2] =	wrdreg s3  }
0xaf: {  	[dreg:$0x3] =	wrdreg s5  }
0xb0: {  	[dreg:$0x4] =	wrdreg $0xC0  }
0xb1: {  	_ =	task [dreg:s7], $0x5FFFF  }
0xb2: {  	[dreg:$0x1] =	wrdreg $0xFFFFFFFF  }
0xb3: {  	[dreg:$0x0] =	wrdreg $0x60  }
0xb4: {  	[dreg:$0x2] =	wrdreg s24  }
0xb5: {  	[dreg:$0x3] =	wrdreg s16  }
0xb6: {  	[dreg:$0x4] =	wrdreg $0x9  }
0xb7: {  	_ =	task.clear_ibuf [dreg:s7], $0x5FFFF;
	_ =	strace $0x90000049  }
0xb8: {  	s29 =	simm.s32 $0x9;
	_ =	strace $0x8000004B  }
0xb9: {  	_ =	swait.ge [sflag:s29], $0x1  }
0xba: {  	[sflag:s29] =	ssyncadd.s32 $0xFFFFFFFF  }
0xbb: {  	_ =	strace $0x9000004B  }
0xbc: {  	_ =	sfence  }
0xbd: {  	s30 =	sld [smem:$0x0];
	_ =	sdelay $0x2  }
0xbe: {  	s31 =	sshll.u32 s1, $0xD;
	s1 =	sshrl.u32 s1, $0x2  }
0xbf: {  	s3 =	sand.u32 $0x4000, s31;
	s1 =	sadd.s32 s1, s30  }
0xc0: {  	s0 =	sor.u32 s3, s0;
	s1 =	sshll.u32 s1, $0x11  }
0xc1: {  	s0 =	sor.u32 s1, s0  }
0xc2: {  	s0 =	sadd.s32 $0x8F2B, s0  }
0xc3: {  	[sflag:s0] =	ssyncadd.remote.s32 $0x1  }
0xc4: {  	_ =	sfence.sel $0xFFFF  }
0xc5: {  	[dreg:$0x0] =	wrdreg $0xFFFFFFFF;
	(pc) =	sbr.abs _section_cstart, $3  }
0xc6: {  	[dreg:$0x1] =	wrdreg $0xFFFFFFFF  }
0xc7: {  	_ =	task.clear_ibuf [dreg:s7], $0x2FFFF;
	_ =	strace $0x9FFFFFFF  }
0xc8: {  	(tm) =	ssettm $0x7FFFFFFF  }
0xc9: {  	_ =	shalt  }
tec
execute0_lowered:
.L_overlay_start_1:
0x0: {  	(tag) =	ssettag $0x1  }
0x1: {  	s0 =	rddreg [dreg:$0x0];
	s1 =	srdreg.scid  }
0x2: {  	s2 =	stileid.u32;
	s4 =	rddreg [dreg:$0x1]  }
0x3: {  	s13 =	simm.s32 $0x3;
	s14 =	simm.s32 $0x4;
	s16 =	simm.s32 $0xA00  }
0x4: {  	s17 =	simm.s32 $0x1200;
	s18 =	simm.s32 $0x1A00;
	s19 =	simm.s32 $0x2200  }
0x5: {  	s20 =	simm.s32 $0x2A00;
	s21 =	simm.s32 $0x3200;
	s22 =	simm.s32 $0x3A00  }
0x6: {  	s28 =	simm.s32 $0x6200;
	s29 =	simm.s32 $0x6A00;
	s30 =	simm.s32 $0x7200  }
0x7: {  	s31 =	simm.s32 $0x7A00;
	s11 =	simm.s32 $0x9200;
	s9 =	simm.s32 $0xA200  }
0x8: {  	s1 =	sand.u32 $0x1, s1;
	s3 =	sshll.u32 s2, $0x1;
	s2 =	simm.s32 $0x0  }
0x9: {  	s10 =	simm.s32 $0xB200;
	s3 =	sor.u32 s1, s3;
	[smem:$0x7FF] =	sst s2  }
0xa: {  	s1 =	ssub.s32 $0x2, s1;
	s5 =	smul.u32 $0x6000, s3;
	_ =	strace $0x8000004A  }
0xb: {  	s6 =	sshll.u32 s3, $0x6;
	s7 =	smul.u32 $0x30000, s3;
	s25 =	sshrl.u32 s1, $0x1  }
0xc: {  	s3 =	sadd.s32 $0x118E00, s0;
	s6 =	sadd.s32 s6, s0;
	s1 =	ssub.s32 s1, s25  }
0xd: {  	s25 =	simm.s32 $0x5200;
	s6 =	sadd.s32 $0x20E00, s6;
	s8 =	sadd.s32 s4, s5  }
0xe: {  	s23 =	sshrl.u32 s7, $0x3;
	s5 =	sadd.s32 $0x118F00, s0;
	[dreg:$0x3] =	wrdreg s6  }
0xf: {  	s7 =	smax.u32 s1, $0x1;
	s1 =	simm.s32 $0xC200;
	[dreg:$0x7] =	wrdreg s8  }
0x10: {  	s24 =	sadd.s32 $0x1800, s8;
	s4 =	sadd.s32 s4, s23;
	s6 =	sadd.s32 $0x119000, s0  }
0x11: {  	v2 =	vlaneseq.u32;
	s23 =	simm.s32 $0x4200;
	[dreg:$0x4] =	wrdreg s24;
	s26 =	sadd.s32 $0x3000, s4  }
0x12: {  	vm0 =	vmmov $0xffff;
	v1 =	vshrl.u32 v2, $0x3;
	s4 =	sadd.s32 $0x4800, s4;
	s24 =	simm.s32 $0x4A00;
	[dreg:$0x5] =	wrdreg s26  }
0x13: {  	v0 =	vand.u32 $0x7, v2;
	v2 =	vor.u32 $0x8, v2;
	v1 =	vmul.u32 $0x8, v1;
	[dreg:$0x6] =	wrdreg s4;
	s4 =	simm.s32 $0x2;
	s26 =	simm.s32 $0x5A00  }
.LBB2_1:
0x14: {  	s15 =	rddreg [dreg:$0x3];
	s0 =	simm.s32 $0x5  }
0x15: {  	[tilespmem:s2], [sflag:$0x5] =	stream.linear.gather [hbm4b:s15+s2], $0x200, $0x38;
	[tilespmem:$0x18200] =	vst v63  }
0x16: {  	_ =	swait.ge [sflag:s0], $0x200  }
0x17: {  	[sflag:s0] =	ssyncset.done $0x0  }
0x18: {  	[sflag:s0] =	ssyncadd.s32 $0xFFFFFE00  }
0x19: {  	v3 =	vld [tilespmem:$0x0];
	_ =	sdelay $0x4  }
0x1a: {  	v4 =	vshrl.u32 v3, $0x3  }
0x1b: {  	v4 =	vmul.u32 $0x30, v4  }
0x1c: {  	v3 =	vand.u32 $0x7, v3  }
0x1d: {  	v3 =	vor.u32 v3, v4  }
0x1e: {  	v4 =	vperm.xlane v3, v0;
	_ =	sdelay $0x1  }
0x1f: {  	v4 =	vadd.s32 v1, v4;
	_ =	sdelay $0x3  }
0x20: {  	s15 =	simm.s32 $0x200;
	v3 =	vperm.xlane v3, v2  }
0x21: {  	[tilespmem:s15], [sflag:$0x1] =	stream.indirect_vreg.gather [hbm4b:s3+s2], $0x80, v4, vm0, $0xb8;
	[tilespmem:$0x18200] =	vst v63  }
0x22: {  	v3 =	vadd.s32 v1, v3  }
0x23: {  	[tilespmem:s16], [sflag:$0x1] =	stream.indirect_vreg.gather [hbm4b:s5+s2], $0x80, v4, vm0, $0xb8;
	[tilespmem:$0x18200] =	vst v63  }
0x24: {  	_ = 	snop  }
0x25: {  	[tilespmem:s17], [sflag:$0x1] =	stream.indirect_vreg.gather [hbm4b:s6+s2], $0x80, v4, vm0, $0xb8;
	[tilespmem:$0x18200] =	vst v63  }
0x26: {  	_ = 	snop  }
0x27: {  	[tilespmem:s18], [sflag:$0x1] =	stream.indirect_vreg.gather [hbm4b:s3+s2], $0x80, v3, vm0, $0xb8;
	[tilespmem:$0x18200] =	vst v63  }
0x28: {  	_ = 	snop  }
0x29: {  	[tilespmem:s19], [sflag:$0x1] =	stream.indirect_vreg.gather [hbm4b:s5+s2], $0x80, v3, vm0, $0xb8;
	[tilespmem:$0x18200] =	vst v63  }
0x2a: {  	_ = 	snop  }
0x2b: {  	[tilespmem:s20], [sflag:$0x1] =	stream.indirect_vreg.gather [hbm4b:s6+s2], $0x80, v3, vm0, $0xb8;
	[tilespmem:$0x18200] =	vst v63  }
0x2c: {  	v3 =	vld [tilespmem:$0x10];
	_ =	sdelay $0x4  }
0x2d: {  	v49 =	vshrl.u32 v3, $0x3  }
0x2e: {  	v4 =	vmul.u32 $0x30, v49  }
0x2f: {  	v3 =	vand.u32 $0x7, v3  }
0x30: {  	v3 =	vor.u32 v3, v4  }
0x31: {  	v4 =	vperm.xlane v3, v0;
	_ =	sdelay $0x1  }
0x32: {  	v4 =	vadd.s32 v1, v4;
	_ =	sdelay $0x3  }
0x33: {  	v3 =	vperm.xlane v3, v2  }
0x34: {  	[tilespmem:s21], [sflag:$0x1] =	stream.indirect_vreg.gather [hbm4b:s3+s2], $0x80, v4, vm0, $0xb8;
	[tilespmem:$0x18200] =	vst v63  }
0x35: {  	v3 =	vadd.s32 v1, v3  }
0x36: {  	[tilespmem:s22], [sflag:$0x1] =	stream.indirect_vreg.gather [hbm4b:s5+s2], $0x80, v4, vm0, $0xb8;
	[tilespmem:$0x18200] =	vst v63  }
0x37: {  	_ = 	snop  }
0x38: {  	[tilespmem:s23], [sflag:$0x1] =	stream.indirect_vreg.gather [hbm4b:s6+s2], $0x80, v4, vm0, $0xb8;
	[tilespmem:$0x18200] =	vst v63  }
0x39: {  	_ = 	snop  }
0x3a: {  	[tilespmem:s24], [sflag:$0x1] =	stream.indirect_vreg.gather [hbm4b:s3+s2], $0x80, v3, vm0, $0xb8;
	[tilespmem:$0x18200] =	vst v63  }
0x3b: {  	_ = 	snop  }
0x3c: {  	[tilespmem:s25], [sflag:$0x1] =	stream.indirect_vreg.gather [hbm4b:s5+s2], $0x80, v3, vm0, $0xb8;
	[tilespmem:$0x18200] =	vst v63  }
0x3d: {  	_ = 	snop  }
0x3e: {  	[tilespmem:s26], [sflag:$0x1] =	stream.indirect_vreg.gather [hbm4b:s6+s2], $0x80, v3, vm0, $0xb8;
	[tilespmem:$0x18200] =	vst v63  }
0x3f: {  	v3 =	vld [tilespmem:$0x20];
	_ =	sdelay $0x4  }
0x40: {  	v50 =	vshrl.u32 v3, $0x3  }
0x41: {  	v4 =	vmul.u32 $0x30, v50  }
0x42: {  	v3 =	vand.u32 $0x7, v3  }
0x43: {  	v3 =	vor.u32 v3, v4  }
0x44: {  	v4 =	vperm.xlane v3, v0;
	_ =	sdelay $0x1  }
0x45: {  	v4 =	vadd.s32 v1, v4;
	_ =	sdelay $0x3  }
0x46: {  	v3 =	vperm.xlane v3, v2  }
0x47: {  	[tilespmem:s28], [sflag:$0x1] =	stream.indirect_vreg.gather [hbm4b:s3+s2], $0x80, v4, vm0, $0xb8;
	[tilespmem:$0x18200] =	vst v63  }
0x48: {  	v3 =	vadd.s32 v1, v3  }
0x49: {  	[tilespmem:s29], [sflag:$0x1] =	stream.indirect_vreg.gather [hbm4b:s5+s2], $0x80, v4, vm0, $0xb8;
	[tilespmem:$0x18200] =	vst v63  }
0x4a: {  	_ = 	snop  }
0x4b: {  	[tilespmem:s30], [sflag:$0x1] =	stream.indirect_vreg.gather [hbm4b:s6+s2], $0x80, v4, vm0, $0xb8;
	[tilespmem:$0x18200] =	vst v63  }
0x4c: {  	_ = 	snop  }
0x4d: {  	[tilespmem:s31], [sflag:$0x1] =	stream.indirect_vreg.gather [hbm4b:s3+s2], $0x80, v3, vm0, $0xb8;
	[tilespmem:$0x18200] =	vst v63  }
0x4e: {  	s8 =	simm.s32 $0x8200  }
0x4f: {  	[tilespmem:s8], [sflag:$0x1] =	stream.indirect_vreg.gather [hbm4b:s5+s2], $0x80, v3, vm0, $0xb8;
	[tilespmem:$0x18200] =	vst v63  }
0x50: {  	s12 =	simm.s32 $0x8A00  }
0x51: {  	[tilespmem:s12], [sflag:$0x1] =	stream.indirect_vreg.gather [hbm4b:s6+s2], $0x80, v3, vm0, $0xb8;
	[tilespmem:$0x18200] =	vst v63  }
0x52: {  	v3 =	vld [tilespmem:$0x30];
	_ =	sdelay $0x4  }
0x53: {  	v51 =	vshrl.u32 v3, $0x3  }
0x54: {  	v4 =	vmul.u32 $0x30, v51  }
0x55: {  	v3 =	vand.u32 $0x7, v3  }
0x56: {  	v3 =	vor.u32 v3, v4  }
0x57: {  	v4 =	vperm.xlane v3, v0;
	_ =	sdelay $0x1  }
0x58: {  	v4 =	vadd.s32 v1, v4;
	_ =	sdelay $0x3  }
0x59: {  	v3 =	vperm.xlane v3, v2  }
0x5a: {  	[tilespmem:s11], [sflag:$0x1] =	stream.indirect_vreg.gather [hbm4b:s3+s2], $0x80, v4, vm0, $0xb8;
	[tilespmem:$0x18200] =	vst v63  }
0x5b: {  	s8 =	simm.s32 $0x9A00;
	v3 =	vadd.s32 v1, v3  }
0x5c: {  	[tilespmem:s8], [sflag:$0x1] =	stream.indirect_vreg.gather [hbm4b:s5+s2], $0x80, v4, vm0, $0xb8;
	[tilespmem:$0x18200] =	vst v63  }
0x5d: {  	_ = 	snop  }
0x5e: {  	[tilespmem:s9], [sflag:$0x1] =	stream.indirect_vreg.gather [hbm4b:s6+s2], $0x80, v4, vm0, $0xb8;
	[tilespmem:$0x18200] =	vst v63  }
0x5f: {  	s15 =	simm.s32 $0xAA00  }
0x60: {  	[tilespmem:s15], [sflag:$0x1] =	stream.indirect_vreg.gather [hbm4b:s3+s2], $0x80, v3, vm0, $0xb8;
	[tilespmem:$0x18200] =	vst v63  }
0x61: {  	_ = 	snop  }
0x62: {  	[tilespmem:s10], [sflag:$0x1] =	stream.indirect_vreg.gather [hbm4b:s5+s2], $0x80, v3, vm0, $0xb8;
	[tilespmem:$0x18200] =	vst v63  }
0x63: {  	s0 =	simm.s32 $0x1;
	s12 =	simm.s32 $0xBA00  }
0x64: {  	[tilespmem:s12], [sflag:$0x1] =	stream.indirect_vreg.gather [hbm4b:s6+s2], $0x80, v3, vm0, $0xb8;
	[tilespmem:$0x18200] =	vst v63  }
0x65: {  	_ =	swait.ge [sflag:s0], $0xC000  }
0x66: {  	[sflag:s0] =	ssyncset.done $0x0  }
0x67: {  	[sflag:s0] =	ssyncadd.s32 $0xFFFF4000  }
0x68: {  	v3 =	vld [tilespmem:$0x80];
	_ =	sdelay $0x4  }
0x69: {  	v52 =	vshrl.u32 v3, $0x3  }
0x6a: {  	v4 =	vmul.u32 $0x30, v52  }
0x6b: {  	v3 =	vand.u32 $0x7, v3  }
0x6c: {  	v3 =	vor.u32 v3, v4  }
0x6d: {  	v4 =	vperm.xlane v3, v0;
	_ =	sdelay $0x1  }
0x6e: {  	v4 =	vadd.s32 v1, v4;
	_ =	sdelay $0x3  }
0x6f: {  	v3 =	vperm.xlane v3, v2  }
0x70: {  	[tilespmem:s1], [sflag:$0x2] =	stream.indirect_vreg.gather [hbm4b:s3+s2], $0x80, v4, vm0, $0xb8;
	[tilespmem:$0x18200] =	vst v63  }
0x71: {  	s12 =	simm.s32 $0xCA00;
	v3 =	vadd.s32 v1, v3  }
0x72: {  	[tilespmem:s12], [sflag:$0x2] =	stream.indirect_vreg.gather [hbm4b:s5+s2], $0x80, v4, vm0, $0xb8;
	[tilespmem:$0x18200] =	vst v63  }
0x73: {  	s15 =	simm.s32 $0xD200  }
0x74: {  	[tilespmem:s15], [sflag:$0x2] =	stream.indirect_vreg.gather [hbm4b:s6+s2], $0x80, v4, vm0, $0xb8;
	[tilespmem:$0x18200] =	vst v63  }
0x75: {  	s15 =	simm.s32 $0xDA00  }
0x76: {  	[tilespmem:s15], [sflag:$0x2] =	stream.indirect_vreg.gather [hbm4b:s3+s2], $0x80, v3, vm0, $0xb8;
	[tilespmem:$0x18200] =	vst v63  }
0x77: {  	s15 =	simm.s32 $0xE200  }
0x78: {  	[tilespmem:s15], [sflag:$0x2] =	stream.indirect_vreg.gather [hbm4b:s5+s2], $0x80, v3, vm0, $0xb8;
	[tilespmem:$0x18200] =	vst v63  }
0x79: {  	s15 =	simm.s32 $0xEA00  }
0x7a: {  	[tilespmem:s15], [sflag:$0x2] =	stream.indirect_vreg.gather [hbm4b:s6+s2], $0x80, v3, vm0, $0xb8;
	[tilespmem:$0x18200] =	vst v63  }
0x7b: {  	v3 =	vld [tilespmem:$0x90];
	_ =	sdelay $0x4  }
0x7c: {  	v53 =	vshrl.u32 v3, $0x3  }
0x7d: {  	v4 =	vmul.u32 $0x30, v53  }
0x7e: {  	v3 =	vand.u32 $0x7, v3  }
0x7f: {  	v3 =	vor.u32 v3, v4  }
0x80: {  	v4 =	vperm.xlane v3, v0;
	_ =	sdelay $0x1  }
0x81: {  	v4 =	vadd.s32 v1, v4;
	_ =	sdelay $0x3  }
0x82: {  	s15 =	simm.s32 $0xF200;
	v3 =	vperm.xlane v3, v2  }
0x83: {  	[tilespmem:s15], [sflag:$0x2] =	stream.indirect_vreg.gather [hbm4b:s3+s2], $0x80, v4, vm0, $0xb8;
	[tilespmem:$0x18200] =	vst v63  }
0x84: {  	v3 =	vadd.s32 v1, v3;
	s15 =	simm.s32 $0xFA00  }
0x85: {  	[tilespmem:s15], [sflag:$0x2] =	stream.indirect_vreg.gather [hbm4b:s5+s2], $0x80, v4, vm0, $0xb8;
	[tilespmem:$0x18200] =	vst v63  }
0x86: {  	s15 =	simm.s32 $0x10200  }
0x87: {  	[tilespmem:s15], [sflag:$0x2] =	stream.indirect_vreg.gather [hbm4b:s6+s2], $0x80, v4, vm0, $0xb8;
	[tilespmem:$0x18200] =	vst v63  }
0x88: {  	s15 =	simm.s32 $0x10A00  }
0x89: {  	[tilespmem:s15], [sflag:$0x2] =	stream.indirect_vreg.gather [hbm4b:s3+s2], $0x80, v3, vm0, $0xb8;
	[tilespmem:$0x18200] =	vst v63  }
0x8a: {  	s15 =	simm.s32 $0x11200  }
0x8b: {  	[tilespmem:s15], [sflag:$0x2] =	stream.indirect_vreg.gather [hbm4b:s5+s2], $0x80, v3, vm0, $0xb8;
	[tilespmem:$0x18200] =	vst v63  }
0x8c: {  	s15 =	simm.s32 $0x11A00  }
0x8d: {  	[tilespmem:s15], [sflag:$0x2] =	stream.indirect_vreg.gather [hbm4b:s6+s2], $0x80, v3, vm0, $0xb8;
	[tilespmem:$0x18200] =	vst v63  }
0x8e: {  	v3 =	vld [tilespmem:$0xA0];
	_ =	sdelay $0x4  }
0x8f: {  	v54 =	vshrl.u32 v3, $0x3  }
0x90: {  	v4 =	vmul.u32 $0x30, v54  }
0x91: {  	v3 =	vand.u32 $0x7, v3  }
0x92: {  	v3 =	vor.u32 v3, v4  }
0x93: {  	v4 =	vperm.xlane v3, v0;
	_ =	sdelay $0x1  }
0x94: {  	v4 =	vadd.s32 v1, v4;
	_ =	sdelay $0x3  }
0x95: {  	s15 =	simm.s32 $0x12200;
	v3 =	vperm.xlane v3, v2  }
0x96: {  	[tilespmem:s15], [sflag:$0x2] =	stream.indirect_vreg.gather [hbm4b:s3+s2], $0x80, v4, vm0, $0xb8;
	[tilespmem:$0x18200] =	vst v63  }
0x97: {  	v3 =	vadd.s32 v1, v3;
	s15 =	simm.s32 $0x12A00  }
0x98: {  	[tilespmem:s15], [sflag:$0x2] =	stream.indirect_vreg.gather [hbm4b:s5+s2], $0x80, v4, vm0, $0xb8;
	[tilespmem:$0x18200] =	vst v63  }
0x99: {  	s15 =	simm.s32 $0x13200  }
0x9a: {  	[tilespmem:s15], [sflag:$0x2] =	stream.indirect_vreg.gather [hbm4b:s6+s2], $0x80, v4, vm0, $0xb8;
	[tilespmem:$0x18200] =	vst v63  }
0x9b: {  	s15 =	simm.s32 $0x13A00  }
0x9c: {  	[tilespmem:s15], [sflag:$0x2] =	stream.indirect_vreg.gather [hbm4b:s3+s2], $0x80, v3, vm0, $0xb8;
	[tilespmem:$0x18200] =	vst v63  }
0x9d: {  	s15 =	simm.s32 $0x14200  }
0x9e: {  	[tilespmem:s15], [sflag:$0x2] =	stream.indirect_vreg.gather [hbm4b:s5+s2], $0x80, v3, vm0, $0xb8;
	[tilespmem:$0x18200] =	vst v63  }
0x9f: {  	s15 =	simm.s32 $0x14A00  }
0xa0: {  	[tilespmem:s15], [sflag:$0x2] =	stream.indirect_vreg.gather [hbm4b:s6+s2], $0x80, v3, vm0, $0xb8;
	[tilespmem:$0x18200] =	vst v63  }
0xa1: {  	v3 =	vld [tilespmem:$0xB0];
	_ =	sdelay $0x4  }
0xa2: {  	v55 =	vshrl.u32 v3, $0x3  }
0xa3: {  	v4 =	vmul.u32 $0x30, v55  }
0xa4: {  	v3 =	vand.u32 $0x7, v3  }
0xa5: {  	v3 =	vor.u32 v3, v4  }
0xa6: {  	v4 =	vperm.xlane v3, v0;
	_ =	sdelay $0x1  }
0xa7: {  	v4 =	vadd.s32 v1, v4;
	_ =	sdelay $0x3  }
0xa8: {  	s15 =	simm.s32 $0x15200;
	v3 =	vperm.xlane v3, v2  }
0xa9: {  	[tilespmem:s15], [sflag:$0x2] =	stream.indirect_vreg.gather [hbm4b:s3+s2], $0x80, v4, vm0, $0xb8;
	[tilespmem:$0x18200] =	vst v63  }
0xaa: {  	v3 =	vadd.s32 v1, v3;
	s15 =	simm.s32 $0x15A00  }
0xab: {  	[tilespmem:s15], [sflag:$0x2] =	stream.indirect_vreg.gather [hbm4b:s5+s2], $0x80, v4, vm0, $0xb8;
	[tilespmem:$0x18200] =	vst v63  }
0xac: {  	s15 =	simm.s32 $0x16200  }
0xad: {  	[tilespmem:s15], [sflag:$0x2] =	stream.indirect_vreg.gather [hbm4b:s6+s2], $0x80, v4, vm0, $0xb8;
	[tilespmem:$0x18200] =	vst v63  }
0xae: {  	s15 =	simm.s32 $0x16A00  }
0xaf: {  	[tilespmem:s15], [sflag:$0x2] =	stream.indirect_vreg.gather [hbm4b:s3+s2], $0x80, v3, vm0, $0xb8;
	[tilespmem:$0x18200] =	vst v63  }
0xb0: {  	s15 =	simm.s32 $0x17200  }
0xb1: {  	[tilespmem:s15], [sflag:$0x2] =	stream.indirect_vreg.gather [hbm4b:s5+s2], $0x80, v3, vm0, $0xb8;
	[tilespmem:$0x18200] =	vst v63  }
0xb2: {  	s15 =	simm.s32 $0x17A00  }
0xb3: {  	[tilespmem:s15], [sflag:$0x2] =	stream.indirect_vreg.gather [hbm4b:s6+s2], $0x80, v3, vm0, $0xb8;
	[tilespmem:$0x18200] =	vst v63  }
0xb4: {  	s12 =	simm.s32 $0x200;
	s15 =	rddreg [dreg:$0x7]  }
0xb5: {  	[hbm4b:s15+s2] =	stream.linear.scatter [tilespmem:s12], [sflag:$0x3], $0xC000, $0x38;
	[tilespmem:$0x18200] =	vst v63  }
0xb6: {  	_ =	swait.ge [sflag:s4], $0xC000  }
0xb7: {  	[sflag:s4] =	ssyncset.done $0x0  }
0xb8: {  	[sflag:s4] =	ssyncadd.s32 $0xFFFF4000  }
0xb9: {  	_ =	swait.ge [sflag:s13], $0xC000  }
0xba: {  	[sflag:s13] =	ssyncset.done $0x0  }
0xbb: {  	[sflag:s13] =	ssyncadd.s32 $0xFFFF4000  }
0xbc: {  	v3 =	vld [tilespmem:$0x100];
	_ =	sdelay $0x4  }
0xbd: {  	v56 =	vshrl.u32 v3, $0x3  }
0xbe: {  	v4 =	vmul.u32 $0x30, v56  }
0xbf: {  	v3 =	vand.u32 $0x7, v3  }
0xc0: {  	v3 =	vor.u32 v3, v4  }
0xc1: {  	v4 =	vperm.xlane v3, v0;
	_ =	sdelay $0x1  }
0xc2: {  	v4 =	vadd.s32 v1, v4;
	_ =	sdelay $0x3  }
0xc3: {  	v3 =	vperm.xlane v3, v2  }
0xc4: {  	[tilespmem:s12], [sflag:$0x1] =	stream.indirect_vreg.gather [hbm4b:s3+s2], $0x80, v4, vm0, $0xb8;
	[tilespmem:$0x18200] =	vst v63  }
0xc5: {  	v3 =	vadd.s32 v1, v3  }
0xc6: {  	[tilespmem:s16], [sflag:$0x1] =	stream.indirect_vreg.gather [hbm4b:s5+s2], $0x80, v4, vm0, $0xb8;
	[tilespmem:$0x18200] =	vst v63  }
0xc7: {  	_ = 	snop  }
0xc8: {  	[tilespmem:s17], [sflag:$0x1] =	stream.indirect_vreg.gather [hbm4b:s6+s2], $0x80, v4, vm0, $0xb8;
	[tilespmem:$0x18200] =	vst v63  }
0xc9: {  	_ = 	snop  }
0xca: {  	[tilespmem:s18], [sflag:$0x1] =	stream.indirect_vreg.gather [hbm4b:s3+s2], $0x80, v3, vm0, $0xb8;
	[tilespmem:$0x18200] =	vst v63  }
0xcb: {  	_ = 	snop  }
0xcc: {  	[tilespmem:s19], [sflag:$0x1] =	stream.indirect_vreg.gather [hbm4b:s5+s2], $0x80, v3, vm0, $0xb8;
	[tilespmem:$0x18200] =	vst v63  }
0xcd: {  	_ = 	snop  }
0xce: {  	[tilespmem:s20], [sflag:$0x1] =	stream.indirect_vreg.gather [hbm4b:s6+s2], $0x80, v3, vm0, $0xb8;
	[tilespmem:$0x18200] =	vst v63  }
0xcf: {  	v3 =	vld [tilespmem:$0x110];
	_ =	sdelay $0x4  }
0xd0: {  	v57 =	vshrl.u32 v3, $0x3  }
0xd1: {  	v4 =	vmul.u32 $0x30, v57  }
0xd2: {  	v3 =	vand.u32 $0x7, v3  }
0xd3: {  	v3 =	vor.u32 v3, v4  }
0xd4: {  	v4 =	vperm.xlane v3, v0;
	_ =	sdelay $0x1  }
0xd5: {  	v4 =	vadd.s32 v1, v4;
	_ =	sdelay $0x3  }
0xd6: {  	v3 =	vperm.xlane v3, v2  }
0xd7: {  	[tilespmem:s21], [sflag:$0x1] =	stream.indirect_vreg.gather [hbm4b:s3+s2], $0x80, v4, vm0, $0xb8;
	[tilespmem:$0x18200] =	vst v63  }
0xd8: {  	v3 =	vadd.s32 v1, v3  }
0xd9: {  	[tilespmem:s22], [sflag:$0x1] =	stream.indirect_vreg.gather [hbm4b:s5+s2], $0x80, v4, vm0, $0xb8;
	[tilespmem:$0x18200] =	vst v63  }
0xda: {  	_ = 	snop  }
0xdb: {  	[tilespmem:s23], [sflag:$0x1] =	stream.indirect_vreg.gather [hbm4b:s6+s2], $0x80, v4, vm0, $0xb8;
	[tilespmem:$0x18200] =	vst v63  }
0xdc: {  	_ = 	snop  }
0xdd: {  	[tilespmem:s24], [sflag:$0x1] =	stream.indirect_vreg.gather [hbm4b:s3+s2], $0x80, v3, vm0, $0xb8;
	[tilespmem:$0x18200] =	vst v63  }
0xde: {  	_ = 	snop  }
0xdf: {  	[tilespmem:s25], [sflag:$0x1] =	stream.indirect_vreg.gather [hbm4b:s5+s2], $0x80, v3, vm0, $0xb8;
	[tilespmem:$0x18200] =	vst v63  }
0xe0: {  	_ = 	snop  }
0xe1: {  	[tilespmem:s26], [sflag:$0x1] =	stream.indirect_vreg.gather [hbm4b:s6+s2], $0x80, v3, vm0, $0xb8;
	[tilespmem:$0x18200] =	vst v63  }
0xe2: {  	v3 =	vld [tilespmem:$0x120];
	_ =	sdelay $0x4  }
0xe3: {  	v58 =	vshrl.u32 v3, $0x3  }
0xe4: {  	v4 =	vmul.u32 $0x30, v58  }
0xe5: {  	v3 =	vand.u32 $0x7, v3  }
0xe6: {  	v3 =	vor.u32 v3, v4  }
0xe7: {  	v4 =	vperm.xlane v3, v0;
	_ =	sdelay $0x1  }
0xe8: {  	v4 =	vadd.s32 v1, v4;
	_ =	sdelay $0x3  }
0xe9: {  	v3 =	vperm.xlane v3, v2  }
0xea: {  	[tilespmem:s28], [sflag:$0x1] =	stream.indirect_vreg.gather [hbm4b:s3+s2], $0x80, v4, vm0, $0xb8;
	[tilespmem:$0x18200] =	vst v63  }
0xeb: {  	v3 =	vadd.s32 v1, v3  }
0xec: {  	[tilespmem:s29], [sflag:$0x1] =	stream.indirect_vreg.gather [hbm4b:s5+s2], $0x80, v4, vm0, $0xb8;
	[tilespmem:$0x18200] =	vst v63  }
0xed: {  	_ = 	snop  }
0xee: {  	[tilespmem:s30], [sflag:$0x1] =	stream.indirect_vreg.gather [hbm4b:s6+s2], $0x80, v4, vm0, $0xb8;
	[tilespmem:$0x18200] =	vst v63  }
0xef: {  	_ = 	snop  }
0xf0: {  	[tilespmem:s31], [sflag:$0x1] =	stream.indirect_vreg.gather [hbm4b:s3+s2], $0x80, v3, vm0, $0xb8;
	[tilespmem:$0x18200] =	vst v63  }
0xf1: {  	s15 =	simm.s32 $0x8200  }
0xf2: {  	[tilespmem:s15], [sflag:$0x1] =	stream.indirect_vreg.gather [hbm4b:s5+s2], $0x80, v3, vm0, $0xb8;
	[tilespmem:$0x18200] =	vst v63  }
0xf3: {  	s15 =	simm.s32 $0x8A00  }
0xf4: {  	[tilespmem:s15], [sflag:$0x1] =	stream.indirect_vreg.gather [hbm4b:s6+s2], $0x80, v3, vm0, $0xb8;
	[tilespmem:$0x18200] =	vst v63  }
0xf5: {  	v3 =	vld [tilespmem:$0x130];
	_ =	sdelay $0x4  }
0xf6: {  	v59 =	vshrl.u32 v3, $0x3  }
0xf7: {  	v4 =	vmul.u32 $0x30, v59  }
0xf8: {  	v3 =	vand.u32 $0x7, v3  }
0xf9: {  	v3 =	vor.u32 v3, v4  }
0xfa: {  	v4 =	vperm.xlane v3, v0;
	_ =	sdelay $0x1  }
0xfb: {  	v4 =	vadd.s32 v1, v4;
	_ =	sdelay $0x3  }
0xfc: {  	v3 =	vperm.xlane v3, v2  }
0xfd: {  	[tilespmem:s11], [sflag:$0x1] =	stream.indirect_vreg.gather [hbm4b:s3+s2], $0x80, v4, vm0, $0xb8;
	[tilespmem:$0x18200] =	vst v63  }
0xfe: {  	v3 =	vadd.s32 v1, v3  }
0xff: {  	[tilespmem:s8], [sflag:$0x1] =	stream.indirect_vreg.gather [hbm4b:s5+s2], $0x80, v4, vm0, $0xb8;
	[tilespmem:$0x18200] =	vst v63  }
0x100: {  	_ = 	snop  }
0x101: {  	[tilespmem:s9], [sflag:$0x1] =	stream.indirect_vreg.gather [hbm4b:s6+s2], $0x80, v4, vm0, $0xb8;
	[tilespmem:$0x18200] =	vst v63  }
0x102: {  	s15 =	simm.s32 $0xAA00  }
0x103: {  	[tilespmem:s15], [sflag:$0x1] =	stream.indirect_vreg.gather [hbm4b:s3+s2], $0x80, v3, vm0, $0xb8;
	[tilespmem:$0x18200] =	vst v63  }
0x104: {  	_ = 	snop  }
0x105: {  	[tilespmem:s10], [sflag:$0x1] =	stream.indirect_vreg.gather [hbm4b:s5+s2], $0x80, v3, vm0, $0xb8;
	[tilespmem:$0x18200] =	vst v63  }
0x106: {  	s12 =	simm.s32 $0xBA00  }
0x107: {  	[tilespmem:s12], [sflag:$0x1] =	stream.indirect_vreg.gather [hbm4b:s6+s2], $0x80, v3, vm0, $0xb8;
	[tilespmem:$0x18200] =	vst v63  }
0x108: {  	s15 =	rddreg [dreg:$0x4]  }
0x109: {  	[hbm4b:s15+s2] =	stream.linear.scatter [tilespmem:s1], [sflag:$0x4], $0xC000, $0x38;
	[tilespmem:$0x18200] =	vst v63  }
0x10a: {  	_ =	swait.ge [sflag:s0], $0xC000  }
0x10b: {  	[sflag:s0] =	ssyncset.done $0x0  }
0x10c: {  	[sflag:s0] =	ssyncadd.s32 $0xFFFF4000  }
0x10d: {  	_ =	swait.ge [sflag:s14], $0xC000  }
0x10e: {  	[sflag:s14] =	ssyncset.done $0x0  }
0x10f: {  	[sflag:s14] =	ssyncadd.s32 $0xFFFF4000  }
0x110: {  	v3 =	vld [tilespmem:$0x180];
	_ =	sdelay $0x4  }
0x111: {  	v60 =	vshrl.u32 v3, $0x3  }
0x112: {  	v4 =	vmul.u32 $0x30, v60  }
0x113: {  	v3 =	vand.u32 $0x7, v3  }
0x114: {  	v3 =	vor.u32 v3, v4  }
0x115: {  	v4 =	vperm.xlane v3, v0;
	_ =	sdelay $0x1  }
0x116: {  	v4 =	vadd.s32 v1, v4;
	_ =	sdelay $0x3  }
0x117: {  	v3 =	vperm.xlane v3, v2  }
0x118: {  	[tilespmem:s1], [sflag:$0x2] =	stream.indirect_vreg.gather [hbm4b:s3+s2], $0x80, v4, vm0, $0xb8;
	[tilespmem:$0x18200] =	vst v63  }
0x119: {  	s8 =	simm.s32 $0xCA00;
	v3 =	vadd.s32 v1, v3  }
0x11a: {  	[tilespmem:s8], [sflag:$0x2] =	stream.indirect_vreg.gather [hbm4b:s5+s2], $0x80, v4, vm0, $0xb8;
	[tilespmem:$0x18200] =	vst v63  }
0x11b: {  	s12 =	simm.s32 $0xD200  }
0x11c: {  	[tilespmem:s12], [sflag:$0x2] =	stream.indirect_vreg.gather [hbm4b:s6+s2], $0x80, v4, vm0, $0xb8;
	[tilespmem:$0x18200] =	vst v63  }
0x11d: {  	s15 =	simm.s32 $0xDA00  }
0x11e: {  	[tilespmem:s15], [sflag:$0x2] =	stream.indirect_vreg.gather [hbm4b:s3+s2], $0x80, v3, vm0, $0xb8;
	[tilespmem:$0x18200] =	vst v63  }
0x11f: {  	s8 =	simm.s32 $0xE200  }
0x120: {  	[tilespmem:s8], [sflag:$0x2] =	stream.indirect_vreg.gather [hbm4b:s5+s2], $0x80, v3, vm0, $0xb8;
	[tilespmem:$0x18200] =	vst v63  }
0x121: {  	s12 =	simm.s32 $0xEA00  }
0x122: {  	[tilespmem:s12], [sflag:$0x2] =	stream.indirect_vreg.gather [hbm4b:s6+s2], $0x80, v3, vm0, $0xb8;
	[tilespmem:$0x18200] =	vst v63  }
0x123: {  	v3 =	vld [tilespmem:$0x190];
	_ =	sdelay $0x4  }
0x124: {  	v61 =	vshrl.u32 v3, $0x3  }
0x125: {  	v4 =	vmul.u32 $0x30, v61  }
0x126: {  	v3 =	vand.u32 $0x7, v3  }
0x127: {  	v3 =	vor.u32 v3, v4  }
0x128: {  	v4 =	vperm.xlane v3, v0;
	_ =	sdelay $0x1  }
0x129: {  	v4 =	vadd.s32 v1, v4;
	_ =	sdelay $0x3  }
0x12a: {  	s15 =	simm.s32 $0xF200;
	v3 =	vperm.xlane v3, v2  }
0x12b: {  	[tilespmem:s15], [sflag:$0x2] =	stream.indirect_vreg.gather [hbm4b:s3+s2], $0x80, v4, vm0, $0xb8;
	[tilespmem:$0x18200] =	vst v63  }
0x12c: {  	s8 =	simm.s32 $0xFA00;
	v3 =	vadd.s32 v1, v3  }
0x12d: {  	[tilespmem:s8], [sflag:$0x2] =	stream.indirect_vreg.gather [hbm4b:s5+s2], $0x80, v4, vm0, $0xb8;
	[tilespmem:$0x18200] =	vst v63  }
0x12e: {  	s12 =	simm.s32 $0x10200  }
0x12f: {  	[tilespmem:s12], [sflag:$0x2] =	stream.indirect_vreg.gather [hbm4b:s6+s2], $0x80, v4, vm0, $0xb8;
	[tilespmem:$0x18200] =	vst v63  }
0x130: {  	s15 =	simm.s32 $0x10A00  }
0x131: {  	[tilespmem:s15], [sflag:$0x2] =	stream.indirect_vreg.gather [hbm4b:s3+s2], $0x80, v3, vm0, $0xb8;
	[tilespmem:$0x18200] =	vst v63  }
0x132: {  	s8 =	simm.s32 $0x11200  }
0x133: {  	[tilespmem:s8], [sflag:$0x2] =	stream.indirect_vreg.gather [hbm4b:s5+s2], $0x80, v3, vm0, $0xb8;
	[tilespmem:$0x18200] =	vst v63  }
0x134: {  	s12 =	simm.s32 $0x11A00  }
0x135: {  	[tilespmem:s12], [sflag:$0x2] =	stream.indirect_vreg.gather [hbm4b:s6+s2], $0x80, v3, vm0, $0xb8;
	[tilespmem:$0x18200] =	vst v63  }
0x136: {  	v3 =	vld [tilespmem:$0x1A0];
	_ =	sdelay $0x4  }
0x137: {  	v62 =	vshrl.u32 v3, $0x3  }
0x138: {  	v4 =	vmul.u32 $0x30, v62  }
0x139: {  	v3 =	vand.u32 $0x7, v3  }
0x13a: {  	v3 =	vor.u32 v3, v4  }
0x13b: {  	v4 =	vperm.xlane v3, v0;
	_ =	sdelay $0x1  }
0x13c: {  	v4 =	vadd.s32 v1, v4;
	_ =	sdelay $0x3  }
0x13d: {  	s15 =	simm.s32 $0x12200;
	v3 =	vperm.xlane v3, v2  }
0x13e: {  	[tilespmem:s15], [sflag:$0x2] =	stream.indirect_vreg.gather [hbm4b:s3+s2], $0x80, v4, vm0, $0xb8;
	[tilespmem:$0x18200] =	vst v63  }
0x13f: {  	s8 =	simm.s32 $0x12A00;
	v3 =	vadd.s32 v1, v3  }
0x140: {  	[tilespmem:s8], [sflag:$0x2] =	stream.indirect_vreg.gather [hbm4b:s5+s2], $0x80, v4, vm0, $0xb8;
	[tilespmem:$0x18200] =	vst v63  }
0x141: {  	s12 =	simm.s32 $0x13200  }
0x142: {  	[tilespmem:s12], [sflag:$0x2] =	stream.indirect_vreg.gather [hbm4b:s6+s2], $0x80, v4, vm0, $0xb8;
	[tilespmem:$0x18200] =	vst v63  }
0x143: {  	s15 =	simm.s32 $0x13A00  }
0x144: {  	[tilespmem:s15], [sflag:$0x2] =	stream.indirect_vreg.gather [hbm4b:s3+s2], $0x80, v3, vm0, $0xb8;
	[tilespmem:$0x18200] =	vst v63  }
0x145: {  	s8 =	simm.s32 $0x14200  }
0x146: {  	[tilespmem:s8], [sflag:$0x2] =	stream.indirect_vreg.gather [hbm4b:s5+s2], $0x80, v3, vm0, $0xb8;
	[tilespmem:$0x18200] =	vst v63  }
0x147: {  	s12 =	simm.s32 $0x14A00  }
0x148: {  	[tilespmem:s12], [sflag:$0x2] =	stream.indirect_vreg.gather [hbm4b:s6+s2], $0x80, v3, vm0, $0xb8;
	[tilespmem:$0x18200] =	vst v63  }
0x149: {  	v3 =	vld [tilespmem:$0x1B0];
	_ =	sdelay $0x4  }
0x14a: {  	v63 =	vshrl.u32 v3, $0x3  }
0x14b: {  	v4 =	vmul.u32 $0x30, v63  }
0x14c: {  	v3 =	vand.u32 $0x7, v3  }
0x14d: {  	v3 =	vor.u32 v3, v4  }
0x14e: {  	v4 =	vperm.xlane v3, v0;
	_ =	sdelay $0x1  }
0x14f: {  	v4 =	vadd.s32 v1, v4;
	_ =	sdelay $0x3  }
0x150: {  	s15 =	simm.s32 $0x15200;
	v3 =	vperm.xlane v3, v2  }
0x151: {  	[tilespmem:s15], [sflag:$0x2] =	stream.indirect_vreg.gather [hbm4b:s3+s2], $0x80, v4, vm0, $0xb8;
	[tilespmem:$0x18200] =	vst v63  }
0x152: {  	s8 =	simm.s32 $0x15A00;
	v3 =	vadd.s32 v1, v3  }
0x153: {  	[tilespmem:s8], [sflag:$0x2] =	stream.indirect_vreg.gather [hbm4b:s5+s2], $0x80, v4, vm0, $0xb8;
	[tilespmem:$0x18200] =	vst v63  }
0x154: {  	s12 =	simm.s32 $0x16200  }
0x155: {  	[tilespmem:s12], [sflag:$0x2] =	stream.indirect_vreg.gather [hbm4b:s6+s2], $0x80, v4, vm0, $0xb8;
	[tilespmem:$0x18200] =	vst v63  }
0x156: {  	s15 =	simm.s32 $0x16A00  }
0x157: {  	[tilespmem:s15], [sflag:$0x2] =	stream.indirect_vreg.gather [hbm4b:s3+s2], $0x80, v3, vm0, $0xb8;
	[tilespmem:$0x18200] =	vst v63  }
0x158: {  	s8 =	simm.s32 $0x17200  }
0x159: {  	[tilespmem:s8], [sflag:$0x2] =	stream.indirect_vreg.gather [hbm4b:s5+s2], $0x80, v3, vm0, $0xb8;
	[tilespmem:$0x18200] =	vst v63  }
0x15a: {  	s12 =	simm.s32 $0x17A00  }
0x15b: {  	[tilespmem:s12], [sflag:$0x2] =	stream.indirect_vreg.gather [hbm4b:s6+s2], $0x80, v3, vm0, $0xb8;
	[tilespmem:$0x18200] =	vst v63  }
0x15c: {  	s15 =	rddreg [dreg:$0x5];
	s8 =	simm.s32 $0x200  }
0x15d: {  	[hbm4b:s15+s2] =	stream.linear.scatter [tilespmem:s8], [sflag:$0x3], $0xC000, $0x38;
	[tilespmem:$0x18200] =	vst v63  }
0x15e: {  	_ =	swait.ge [sflag:s4], $0xC000  }
0x15f: {  	[sflag:s4] =	ssyncset.done $0x0  }
0x160: {  	s12 =	rddreg [dreg:$0x6];
	[sflag:s4] =	ssyncadd.s32 $0xFFFF4000  }
0x161: {  	[hbm4b:s12+s2] =	stream.linear.scatter [tilespmem:s1], [sflag:$0x4], $0xC000, $0x38;
	[tilespmem:$0x18200] =	vst v63  }
0x162: {  	p0 =	sne.s32 s7, $0x1;
	_ =	swait.ge [sflag:s13], $0xC000  }
.Ltmp0:
0x163: {  	[sflag:s13] =	ssyncset.done $0x0;
	(pc) =	sbr.rel @p0 .LBB2_1-.Ltmp0, $4  }
0x164: {  	[sflag:s13] =	ssyncadd.s32 $0xFFFF4000  }
0x165: {  	_ =	swait.ge [sflag:s14], $0xC000  }
0x166: {  	[sflag:s14] =	ssyncset.done $0x0  }
0x167: {  	s7 =	sadd.s32 $0xFFFFFFFF, s7;
	[sflag:s14] =	ssyncadd.s32 $0xFFFF4000  }
0x168: {  	_ =	sfence.sel $0x180000  }
0x169: {  	[bflag:$0x0] =	sbarrier.arrive $0xFFFF  }
0x16a: {  	_ =	strace $0x9000004A  }
0x16b: {  	s0 =	stileid.u32;
	[bflag:$0x2] =	sbarrier.arrive $0xFFFF  }
0x16c: {  	p0 =	sne.s32 s0, $0x0;
	s0 =	rddreg [dreg:$0x2]  }
0x16d: {  	s0 =	sadd.s32 @!p0 $0x100000, s0  }
0x16e: {  	[sflag:s0] =	ssyncadd.tile.s32 @!p0 $0x1;
	_ =	shalt  }
.Lfunc_end2:
_tile_overlayer_lowered:
.L_overlay_start_2:
0x16f: {  	(tag) =	ssettag $0x2  }
0x170: {  	s0 =	rddreg [dreg:$0x0];
	s2 =	stileid.u32  }
0x171: {  	s1 =	rddreg [dreg:$0x1];
	p0 =	sne.s32 s2, $0x0  }
0x172: {  	s3 =	rddreg [dreg:$0x2];
	[bflag:$0x3] =	sbarrier.arrive $0xFFFF;
	s2 =	simm.s32 @!p0 $0x1C05  }
0x173: {  	[timem:s3], [sflag:s2] =	dma.local @!p0 [hbm:s0], s1  }
0x174: {  	s0 =	simm.s32 @!p0 $0x5  }
0x175: {  	_ =	swait.ge @!p0 [sflag:s0], s1  }
0x176: {  	s1 =	ssub.s32 @!p0 $0x0, s1;
	[sflag:s0] =	ssyncset.done @!p0 $0x0  }
0x177: {  	[sflag:s0] =	ssyncadd.s32 @!p0 s1  }
0x178: {  	[bflag:$0x3] =	sbarrier.arrive $0xFFFF  }
0x179: {  	_ =	shalt  }

</sc_bundles>
